<compile_context>
chip_gen: v7x
topology: tpu7x:2x2x1
jax: 0.10.2.dev20260603
libtpu: 0.0.44.dev20260713+nightly
codegen_flags: <defaults>
</compile_context>

<pallas_src>
import functools

import jax
import jax.numpy as jnp
from jax import lax
from jax.experimental import pallas as pl
from jax.experimental.pallas import tpu as pltpu
from jax.experimental.pallas import tpu_sc as plsc

_G = 4


@functools.lru_cache(maxsize=None)
def _gather_call(b, l, d):
    info = plsc.get_sparse_core_info()
    nc, ns = info.num_cores, info.num_subcores
    nw = nc * ns
    b_per_w = b // nw
    n_chunks = b_per_w // _G
    assert b % nw == 0 and b_per_w % _G == 0 and n_chunks % 2 == 0

    mesh = plsc.VectorSubcoreMesh(core_axis_name="c", subcore_axis_name="s")

    @functools.partial(
        pl.kernel,
        out_type=jax.ShapeDtypeStruct((b, l, d), jnp.float32),
        mesh=mesh,
        scratch_types=[
            pltpu.VMEM((b_per_w, l), jnp.int32),
            pltpu.VMEM((2, _G, l, d), jnp.float32),
            pltpu.SemaphoreType.DMA,
            pltpu.SemaphoreType.DMA,
            pltpu.SemaphoreType.DMA,
            pltpu.SemaphoreType.DMA,
        ],
        compiler_params=pltpu.CompilerParams(
            use_tc_tiling_on_sc=False, skip_device_barrier=True),
    )
    def k(idx_hbm, table_hbm, out_hbm, idx_v, rows_v, sg0, sg1, so0, so1):
        wid = lax.axis_index("s") * nc + lax.axis_index("c")
        base = wid * b_per_w
        pltpu.sync_copy(idx_hbm.at[pl.ds(base, b_per_w)], idx_v)

        sg = (sg0, sg1)
        so = (so0, so1)

        def issue_gather(g, s):
            for j in range(_G):
                pltpu.async_copy(
                    table_hbm.at[idx_v.at[g * _G + j]], rows_v.at[s, j], sg[s])

        def wait_gather(s):
            for j in range(_G):
                pltpu.make_async_copy(
                    table_hbm.at[idx_v.at[j]], rows_v.at[s, j], sg[s]).wait()

        def issue_store(g, s):
            pltpu.async_copy(
                rows_v.at[s], out_hbm.at[pl.ds(base + g * _G, _G)], so[s])

        def wait_store(s):
            pltpu.make_async_copy(
                rows_v.at[s], out_hbm.at[pl.ds(base, _G)], so[s]).wait()

        issue_gather(0, 0)

        def pair(p, carry):
            g0 = 2 * p

            @pl.when(p > 0)
            def _():
                wait_store(1)

            issue_gather(g0 + 1, 1)
            wait_gather(0)
            issue_store(g0, 0)

            @pl.when(p + 1 < n_chunks // 2)
            def _():
                wait_store(0)
                issue_gather(g0 + 2, 0)

            wait_gather(1)
            issue_store(g0 + 1, 1)
            return carry

        lax.fori_loop(0, n_chunks // 2, pair, 0)
        wait_store(0)
        wait_store(1)

    return k


def kernel(inputs, table):
    b, l = inputs.shape
    return _gather_call(b, l, table.shape[1])(inputs.astype(jnp.int32), table)

# --- scband reference (transcript-rebuilt; emitter-appended) ---
"""Pipeline reference for scband-word2-vec-embedding-v1-44367012168051 (READ-ONLY COPY).

The authoritative reference and input builder live on the scoring server;
editing this copy changes nothing except your own understanding.
"""

import jax, jax.numpy as jnp
import numpy as np

VOCAB = 1000000
DIM = 64
B = 4096
L = 200

def setup_inputs(seed: int = 0) -> dict:
    key = jax.random.key(seed)
    k1, k2 = jax.random.split(key)
    inputs = jax.random.randint(k1, (B, L), 0, VOCAB, dtype=jnp.int64) if jax.config.jax_enable_x64 else jax.random.randint(k1, (B, L), 0, VOCAB, dtype=jnp.int32)
    table = jax.random.normal(k2, (VOCAB, DIM), dtype=jnp.float32)
    return {"inputs": inputs, "table": table}

def reference(inputs, table):
    # Word2VecEmbeddingV1.call -> tf.keras.layers.Embedding lookup
    out = jnp.take(table, inputs, axis=0)
    return out

if __name__ == "__main__":
    import jax
    _d = setup_inputs()
    print(jax.jit(kernel)(*tuple(_d.values())))

</pallas_src>

<mosaic_0001>
#map = affine_map<(d0, d1) -> (0, 0)>
#map1 = affine_map<(d0, d1) -> (0, 0, 0)>
module attributes {stable_mosaic.version = 14 : i64} {
  func.func @k(%arg0: i32, %arg1: i32, %arg2: memref<4096x200xi32, #tpu.memory_space<hbm>>, %arg3: memref<1000000x64xf32, #tpu.memory_space<hbm>>, %arg4: memref<4096x200x64xf32, #tpu.memory_space<hbm>>, %arg5: memref<128x200xi32, #tpu.memory_space<vmem>>, %arg6: memref<2x4x200x64xf32, #tpu.memory_space<vmem>>, %arg7: memref<!tpu.dma_semaphore, #tpu.memory_space<semaphore_mem>>, %arg8: memref<!tpu.dma_semaphore, #tpu.memory_space<semaphore_mem>>, %arg9: memref<!tpu.dma_semaphore, #tpu.memory_space<semaphore_mem>>, %arg10: memref<!tpu.dma_semaphore, #tpu.memory_space<semaphore_mem>>) attributes {dimension_semantics = [#tpu.dimension_semantics<core_parallel>, #tpu.dimension_semantics<subcore_parallel>], iteration_bounds = array<i64: 2, 16>, scalar_prefetch = 0 : i64, scratch_operands = 6 : i64, tpu.core_type = #tpu.core_type<sc_vector_subcore>, window_params = [{transform_indices = #map}, {transform_indices = #map}, {transform_indices = #map1}]} {
    %mul3A = arith.constant 2 : i32
    %mul3A_0 = arith.muli %arg1, %mul3A : i32
    %add3A = arith.addi %mul3A_0, %arg0 : i32
    %mul3A_1 = arith.constant 128 : i32
    %mul3A_2 = arith.muli %add3A, %mul3A_1 : i32
    "tpu.region"() ({
      %run_scoped3A = tpu.sem_alloc : memref<!tpu.dma_semaphore, #tpu.memory_space<semaphore_mem>>
      %dma_start3A_92 = arith.constant 0 : i32
      %dma_start3A_93 = tpu.memref_slice %arg2[%mul3A_2, %dma_start3A_92] : memref<4096x200xi32, #tpu.memory_space<hbm>> -> memref<128x200xi32, #tpu.memory_space<hbm>>
      %dma_start3A_94 = arith.constant 0 : i32
      %dma_start3A_95 = tpu.memref_slice %arg2[%mul3A_2, %dma_start3A_94] : memref<4096x200xi32, #tpu.memory_space<hbm>> -> memref<128x200xi32, #tpu.memory_space<hbm>>
      tpu.enqueue_dma source(%dma_start3A_95 : memref<128x200xi32, #tpu.memory_space<hbm>>) target(%arg5 : memref<128x200xi32, #tpu.memory_space<vmem>>) target_semaphore(%run_scoped3A : memref<!tpu.dma_semaphore, #tpu.memory_space<semaphore_mem>>)
      %dma_wait3A_96 = arith.constant 0 : i32
      %dma_wait3A_97 = tpu.memref_slice %arg2[%mul3A_2, %dma_wait3A_96] : memref<4096x200xi32, #tpu.memory_space<hbm>> -> memref<128x200xi32, #tpu.memory_space<hbm>>
      %dma_wait3A_98 = arith.constant 0 : i32
      %dma_wait3A_99 = tpu.memref_slice %arg2[%mul3A_2, %dma_wait3A_98] : memref<4096x200xi32, #tpu.memory_space<hbm>> -> memref<128x200xi32, #tpu.memory_space<hbm>>
      tpu.wait_dma2 semaphore(%run_scoped3A : memref<!tpu.dma_semaphore, #tpu.memory_space<semaphore_mem>>) src(%dma_wait3A_99 : memref<128x200xi32, #tpu.memory_space<hbm>>) dst(%arg5 : memref<128x200xi32, #tpu.memory_space<vmem>>)
      tpu.yield
    }) : () -> ()
    %dma_start3A = arith.constant 0 : i32
    %dma_start3A_3 = arith.constant 0 : i32
    %dma_start3A_4 = arith.constant 0 : i32
    %dma_start3A_5 = arith.constant 0 : i32
    %dma_start3A_6 = arith.constant 0 : i32
    %dma_start3A_7 = tpu.memref_slice %arg6[%dma_start3A_3, %dma_start3A_4, %dma_start3A_5, %dma_start3A_6] : memref<2x4x200x64xf32, #tpu.memory_space<vmem>> -> memref<1x1x200x64xf32, #tpu.memory_space<vmem>>
    %dma_start3A_8 = tpu.memref_squeeze %dma_start3A_7 : memref<1x1x200x64xf32, #tpu.memory_space<vmem>> -> memref<200x64xf32, #tpu.memory_space<vmem>>
    %dma_start3A_9 = arith.constant 0 : i32
    %dma_start3A_10 = tpu.memref_slice %arg5[%dma_start3A, %dma_start3A_9] : memref<128x200xi32, #tpu.memory_space<vmem>> -> memref<1x200xi32, #tpu.memory_space<vmem>>
    %dma_start3A_11 = tpu.memref_squeeze %dma_start3A_10 : memref<1x200xi32, #tpu.memory_space<vmem>> -> memref<200xi32, #tpu.memory_space<vmem>>
    %dma_start3A_12 = arith.constant 0 : i32
    %dma_start3A_13 = arith.constant 0 : i32
    %dma_start3A_14 = tpu.memref_slice %arg3[%dma_start3A_12, %dma_start3A_13] : memref<1000000x64xf32, #tpu.memory_space<hbm>> -> memref<1000000x64xf32, #tpu.memory_space<hbm>>
    tpu.enqueue_indirect_dma source(%dma_start3A_14 : memref<1000000x64xf32, #tpu.memory_space<hbm>>) target(%dma_start3A_8 : memref<200x64xf32, #tpu.memory_space<vmem>>) offsets(%dma_start3A_11 : memref<200xi32, #tpu.memory_space<vmem>>) semaphore(%arg7 : memref<!tpu.dma_semaphore, #tpu.memory_space<semaphore_mem>>)
    %dma_start3A_15 = arith.constant 1 : i32
    %dma_start3A_16 = arith.constant 0 : i32
    %dma_start3A_17 = arith.constant 1 : i32
    %dma_start3A_18 = arith.constant 0 : i32
    %dma_start3A_19 = arith.constant 0 : i32
    %dma_start3A_20 = tpu.memref_slice %arg6[%dma_start3A_16, %dma_start3A_17, %dma_start3A_18, %dma_start3A_19] : memref<2x4x200x64xf32, #tpu.memory_space<vmem>> -> memref<1x1x200x64xf32, #tpu.memory_space<vmem>>
    %dma_start3A_21 = tpu.memref_squeeze %dma_start3A_20 : memref<1x1x200x64xf32, #tpu.memory_space<vmem>> -> memref<200x64xf32, #tpu.memory_space<vmem>>
    %dma_start3A_22 = arith.constant 0 : i32
    %dma_start3A_23 = tpu.memref_slice %arg5[%dma_start3A_15, %dma_start3A_22] : memref<128x200xi32, #tpu.memory_space<vmem>> -> memref<1x200xi32, #tpu.memory_space<vmem>>
    %dma_start3A_24 = tpu.memref_squeeze %dma_start3A_23 : memref<1x200xi32, #tpu.memory_space<vmem>> -> memref<200xi32, #tpu.memory_space<vmem>>
    %dma_start3A_25 = arith.constant 0 : i32
    %dma_start3A_26 = arith.constant 0 : i32
    %dma_start3A_27 = tpu.memref_slice %arg3[%dma_start3A_25, %dma_start3A_26] : memref<1000000x64xf32, #tpu.memory_space<hbm>> -> memref<1000000x64xf32, #tpu.memory_space<hbm>>
    tpu.enqueue_indirect_dma source(%dma_start3A_27 : memref<1000000x64xf32, #tpu.memory_space<hbm>>) target(%dma_start3A_21 : memref<200x64xf32, #tpu.memory_space<vmem>>) offsets(%dma_start3A_24 : memref<200xi32, #tpu.memory_space<vmem>>) semaphore(%arg7 : memref<!tpu.dma_semaphore, #tpu.memory_space<semaphore_mem>>)
    %dma_start3A_28 = arith.constant 2 : i32
    %dma_start3A_29 = arith.constant 0 : i32
    %dma_start3A_30 = arith.constant 2 : i32
    %dma_start3A_31 = arith.constant 0 : i32
    %dma_start3A_32 = arith.constant 0 : i32
    %dma_start3A_33 = tpu.memref_slice %arg6[%dma_start3A_29, %dma_start3A_30, %dma_start3A_31, %dma_start3A_32] : memref<2x4x200x64xf32, #tpu.memory_space<vmem>> -> memref<1x1x200x64xf32, #tpu.memory_space<vmem>>
    %dma_start3A_34 = tpu.memref_squeeze %dma_start3A_33 : memref<1x1x200x64xf32, #tpu.memory_space<vmem>> -> memref<200x64xf32, #tpu.memory_space<vmem>>
    %dma_start3A_35 = arith.constant 0 : i32
    %dma_start3A_36 = tpu.memref_slice %arg5[%dma_start3A_28, %dma_start3A_35] : memref<128x200xi32, #tpu.memory_space<vmem>> -> memref<1x200xi32, #tpu.memory_space<vmem>>
    %dma_start3A_37 = tpu.memref_squeeze %dma_start3A_36 : memref<1x200xi32, #tpu.memory_space<vmem>> -> memref<200xi32, #tpu.memory_space<vmem>>
    %dma_start3A_38 = arith.constant 0 : i32
    %dma_start3A_39 = arith.constant 0 : i32
    %dma_start3A_40 = tpu.memref_slice %arg3[%dma_start3A_38, %dma_start3A_39] : memref<1000000x64xf32, #tpu.memory_space<hbm>> -> memref<1000000x64xf32, #tpu.memory_space<hbm>>
    tpu.enqueue_indirect_dma source(%dma_start3A_40 : memref<1000000x64xf32, #tpu.memory_space<hbm>>) target(%dma_start3A_34 : memref<200x64xf32, #tpu.memory_space<vmem>>) offsets(%dma_start3A_37 : memref<200xi32, #tpu.memory_space<vmem>>) semaphore(%arg7 : memref<!tpu.dma_semaphore, #tpu.memory_space<semaphore_mem>>)
    %dma_start3A_41 = arith.constant 3 : i32
    %dma_start3A_42 = arith.constant 0 : i32
    %dma_start3A_43 = arith.constant 3 : i32
    %dma_start3A_44 = arith.constant 0 : i32
    %dma_start3A_45 = arith.constant 0 : i32
    %dma_start3A_46 = tpu.memref_slice %arg6[%dma_start3A_42, %dma_start3A_43, %dma_start3A_44, %dma_start3A_45] : memref<2x4x200x64xf32, #tpu.memory_space<vmem>> -> memref<1x1x200x64xf32, #tpu.memory_space<vmem>>
    %dma_start3A_47 = tpu.memref_squeeze %dma_start3A_46 : memref<1x1x200x64xf32, #tpu.memory_space<vmem>> -> memref<200x64xf32, #tpu.memory_space<vmem>>
    %dma_start3A_48 = arith.constant 0 : i32
    %dma_start3A_49 = tpu.memref_slice %arg5[%dma_start3A_41, %dma_start3A_48] : memref<128x200xi32, #tpu.memory_space<vmem>> -> memref<1x200xi32, #tpu.memory_space<vmem>>
    %dma_start3A_50 = tpu.memref_squeeze %dma_start3A_49 : memref<1x200xi32, #tpu.memory_space<vmem>> -> memref<200xi32, #tpu.memory_space<vmem>>
    %dma_start3A_51 = arith.constant 0 : i32
    %dma_start3A_52 = arith.constant 0 : i32
    %dma_start3A_53 = tpu.memref_slice %arg3[%dma_start3A_51, %dma_start3A_52] : memref<1000000x64xf32, #tpu.memory_space<hbm>> -> memref<1000000x64xf32, #tpu.memory_space<hbm>>
    tpu.enqueue_indirect_dma source(%dma_start3A_53 : memref<1000000x64xf32, #tpu.memory_space<hbm>>) target(%dma_start3A_47 : memref<200x64xf32, #tpu.memory_space<vmem>>) offsets(%dma_start3A_50 : memref<200xi32, #tpu.memory_space<vmem>>) semaphore(%arg7 : memref<!tpu.dma_semaphore, #tpu.memory_space<semaphore_mem>>)
    %scan3A = arith.constant 0 : i32
    %scan3A_54 = arith.constant 0 : i32
    %scan3A_55 = arith.constant 16 : i32
    %scan3A_56 = arith.addi %scan3A_54, %scan3A_55 : i32
    %scan3A_57 = arith.constant 1 : i32
    scf.for %scan3A_92 = %scan3A_54 to %scan3A_56 step %scan3A_57  : i32 {
      %mul3A_93 = arith.constant 2 : i32
      %mul3A_94 = arith.muli %mul3A_93, %scan3A_92 : i32
      %gt3A = arith.constant 0 : i32
      %gt3A_95 = arith.cmpi sgt, %scan3A_92, %gt3A : i32
      %convert_element_type3A = arith.extui %gt3A_95 : i1 to i32
      %cond3A = arith.constant 0 : i32
      %cond3A_96 = arith.cmpi ne, %convert_element_type3A, %cond3A : i32
      scf.if %cond3A_96 {
        %dma_wait3A_315 = arith.constant 1 : i32
        %dma_wait3A_316 = arith.constant 0 : i32
        %dma_wait3A_317 = arith.constant 0 : i32
        %dma_wait3A_318 = arith.constant 0 : i32
        %dma_wait3A_319 = tpu.memref_slice %arg6[%dma_wait3A_315, %dma_wait3A_316, %dma_wait3A_317, %dma_wait3A_318] : memref<2x4x200x64xf32, #tpu.memory_space<vmem>> -> memref<1x4x200x64xf32, #tpu.memory_space<vmem>>
        %dma_wait3A_320 = tpu.memref_squeeze %dma_wait3A_319 : memref<1x4x200x64xf32, #tpu.memory_space<vmem>> -> memref<4x200x64xf32, #tpu.memory_space<vmem>>
        %dma_wait3A_321 = arith.constant 0 : i32
        %dma_wait3A_322 = arith.constant 0 : i32
        %dma_wait3A_323 = tpu.memref_slice %arg4[%mul3A_2, %dma_wait3A_321, %dma_wait3A_322] : memref<4096x200x64xf32, #tpu.memory_space<hbm>> -> memref<4x200x64xf32, #tpu.memory_space<hbm>>
        %dma_wait3A_324 = arith.constant 0 : i32
        %dma_wait3A_325 = arith.constant 0 : i32
        %dma_wait3A_326 = tpu.memref_slice %arg4[%mul3A_2, %dma_wait3A_324, %dma_wait3A_325] : memref<4096x200x64xf32, #tpu.memory_space<hbm>> -> memref<4x200x64xf32, #tpu.memory_space<hbm>>
        %dma_wait3A_327 = arith.constant 0 : i32
        %dma_wait3A_328 = arith.constant 0 : i32
        %dma_wait3A_329 = arith.constant 0 : i32
        %dma_wait3A_330 = tpu.memref_slice %arg6[%dma_wait3A_315, %dma_wait3A_327, %dma_wait3A_328, %dma_wait3A_329] : memref<2x4x200x64xf32, #tpu.memory_space<vmem>> -> memref<1x4x200x64xf32, #tpu.memory_space<vmem>>
        %dma_wait3A_331 = tpu.memref_squeeze %dma_wait3A_330 : memref<1x4x200x64xf32, #tpu.memory_space<vmem>> -> memref<4x200x64xf32, #tpu.memory_space<vmem>>
        tpu.wait_dma2 semaphore(%arg10 : memref<!tpu.dma_semaphore, #tpu.memory_space<semaphore_mem>>) src(%dma_wait3A_331 : memref<4x200x64xf32, #tpu.memory_space<vmem>>) dst(%dma_wait3A_326 : memref<4x200x64xf32, #tpu.memory_space<hbm>>)
      } else {
      }
      %add3A_97 = arith.constant 1 : i32
      %add3A_98 = arith.addi %mul3A_94, %add3A_97 : i32
      %mul3A_99 = arith.constant 4 : i32
      %mul3A_100 = arith.muli %add3A_98, %mul3A_99 : i32
      %add3A_101 = arith.constant 0 : i32
      %add3A_102 = arith.addi %mul3A_100, %add3A_101 : i32
      %dma_start3A_103 = arith.constant 1 : i32
      %dma_start3A_104 = arith.constant 0 : i32
      %dma_start3A_105 = arith.constant 0 : i32
      %dma_start3A_106 = arith.constant 0 : i32
      %dma_start3A_107 = tpu.memref_slice %arg6[%dma_start3A_103, %dma_start3A_104, %dma_start3A_105, %dma_start3A_106] : memref<2x4x200x64xf32, #tpu.memory_space<vmem>> -> memref<1x1x200x64xf32, #tpu.memory_space<vmem>>
      %dma_start3A_108 = tpu.memref_squeeze %dma_start3A_107 : memref<1x1x200x64xf32, #tpu.memory_space<vmem>> -> memref<200x64xf32, #tpu.memory_space<vmem>>
      %dma_start3A_109 = arith.constant 0 : i32
      %dma_start3A_110 = tpu.memref_slice %arg5[%add3A_102, %dma_start3A_109] : memref<128x200xi32, #tpu.memory_space<vmem>> -> memref<1x200xi32, #tpu.memory_space<vmem>>
      %dma_start3A_111 = tpu.memref_squeeze %dma_start3A_110 : memref<1x200xi32, #tpu.memory_space<vmem>> -> memref<200xi32, #tpu.memory_space<vmem>>
      %dma_start3A_112 = arith.constant 0 : i32
      %dma_start3A_113 = arith.constant 0 : i32
      %dma_start3A_114 = tpu.memref_slice %arg3[%dma_start3A_112, %dma_start3A_113] : memref<1000000x64xf32, #tpu.memory_space<hbm>> -> memref<1000000x64xf32, #tpu.memory_space<hbm>>
      tpu.enqueue_indirect_dma source(%dma_start3A_114 : memref<1000000x64xf32, #tpu.memory_space<hbm>>) target(%dma_start3A_108 : memref<200x64xf32, #tpu.memory_space<vmem>>) offsets(%dma_start3A_111 : memref<200xi32, #tpu.memory_space<vmem>>) semaphore(%arg8 : memref<!tpu.dma_semaphore, #tpu.memory_space<semaphore_mem>>)
      %mul3A_115 = arith.constant 4 : i32
      %mul3A_116 = arith.muli %add3A_98, %mul3A_115 : i32
      %add3A_117 = arith.constant 1 : i32
      %add3A_118 = arith.addi %mul3A_116, %add3A_117 : i32
      %dma_start3A_119 = arith.constant 1 : i32
      %dma_start3A_120 = arith.constant 1 : i32
      %dma_start3A_121 = arith.constant 0 : i32
      %dma_start3A_122 = arith.constant 0 : i32
      %dma_start3A_123 = tpu.memref_slice %arg6[%dma_start3A_119, %dma_start3A_120, %dma_start3A_121, %dma_start3A_122] : memref<2x4x200x64xf32, #tpu.memory_space<vmem>> -> memref<1x1x200x64xf32, #tpu.memory_space<vmem>>
      %dma_start3A_124 = tpu.memref_squeeze %dma_start3A_123 : memref<1x1x200x64xf32, #tpu.memory_space<vmem>> -> memref<200x64xf32, #tpu.memory_space<vmem>>
      %dma_start3A_125 = arith.constant 0 : i32
      %dma_start3A_126 = tpu.memref_slice %arg5[%add3A_118, %dma_start3A_125] : memref<128x200xi32, #tpu.memory_space<vmem>> -> memref<1x200xi32, #tpu.memory_space<vmem>>
      %dma_start3A_127 = tpu.memref_squeeze %dma_start3A_126 : memref<1x200xi32, #tpu.memory_space<vmem>> -> memref<200xi32, #tpu.memory_space<vmem>>
      %dma_start3A_128 = arith.constant 0 : i32
      %dma_start3A_129 = arith.constant 0 : i32
      %dma_start3A_130 = tpu.memref_slice %arg3[%dma_start3A_128, %dma_start3A_129] : memref<1000000x64xf32, #tpu.memory_space<hbm>> -> memref<1000000x64xf32, #tpu.memory_space<hbm>>
      tpu.enqueue_indirect_dma source(%dma_start3A_130 : memref<1000000x64xf32, #tpu.memory_space<hbm>>) target(%dma_start3A_124 : memref<200x64xf32, #tpu.memory_space<vmem>>) offsets(%dma_start3A_127 : memref<200xi32, #tpu.memory_space<vmem>>) semaphore(%arg8 : memref<!tpu.dma_semaphore, #tpu.memory_space<semaphore_mem>>)
      %mul3A_131 = arith.constant 4 : i32
      %mul3A_132 = arith.muli %add3A_98, %mul3A_131 : i32
      %add3A_133 = arith.constant 2 : i32
      %add3A_134 = arith.addi %mul3A_132, %add3A_133 : i32
      %dma_start3A_135 = arith.constant 1 : i32
      %dma_start3A_136 = arith.constant 2 : i32
      %dma_start3A_137 = arith.constant 0 : i32
      %dma_start3A_138 = arith.constant 0 : i32
      %dma_start3A_139 = tpu.memref_slice %arg6[%dma_start3A_135, %dma_start3A_136, %dma_start3A_137, %dma_start3A_138] : memref<2x4x200x64xf32, #tpu.memory_space<vmem>> -> memref<1x1x200x64xf32, #tpu.memory_space<vmem>>
      %dma_start3A_140 = tpu.memref_squeeze %dma_start3A_139 : memref<1x1x200x64xf32, #tpu.memory_space<vmem>> -> memref<200x64xf32, #tpu.memory_space<vmem>>
      %dma_start3A_141 = arith.constant 0 : i32
      %dma_start3A_142 = tpu.memref_slice %arg5[%add3A_134, %dma_start3A_141] : memref<128x200xi32, #tpu.memory_space<vmem>> -> memref<1x200xi32, #tpu.memory_space<vmem>>
      %dma_start3A_143 = tpu.memref_squeeze %dma_start3A_142 : memref<1x200xi32, #tpu.memory_space<vmem>> -> memref<200xi32, #tpu.memory_space<vmem>>
      %dma_start3A_144 = arith.constant 0 : i32
      %dma_start3A_145 = arith.constant 0 : i32
      %dma_start3A_146 = tpu.memref_slice %arg3[%dma_start3A_144, %dma_start3A_145] : memref<1000000x64xf32, #tpu.memory_space<hbm>> -> memref<1000000x64xf32, #tpu.memory_space<hbm>>
      tpu.enqueue_indirect_dma source(%dma_start3A_146 : memref<1000000x64xf32, #tpu.memory_space<hbm>>) target(%dma_start3A_140 : memref<200x64xf32, #tpu.memory_space<vmem>>) offsets(%dma_start3A_143 : memref<200xi32, #tpu.memory_space<vmem>>) semaphore(%arg8 : memref<!tpu.dma_semaphore, #tpu.memory_space<semaphore_mem>>)
      %mul3A_147 = arith.constant 4 : i32
      %mul3A_148 = arith.muli %add3A_98, %mul3A_147 : i32
      %add3A_149 = arith.constant 3 : i32
      %add3A_150 = arith.addi %mul3A_148, %add3A_149 : i32
      %dma_start3A_151 = arith.constant 1 : i32
      %dma_start3A_152 = arith.constant 3 : i32
      %dma_start3A_153 = arith.constant 0 : i32
      %dma_start3A_154 = arith.constant 0 : i32
      %dma_start3A_155 = tpu.memref_slice %arg6[%dma_start3A_151, %dma_start3A_152, %dma_start3A_153, %dma_start3A_154] : memref<2x4x200x64xf32, #tpu.memory_space<vmem>> -> memref<1x1x200x64xf32, #tpu.memory_space<vmem>>
      %dma_start3A_156 = tpu.memref_squeeze %dma_start3A_155 : memref<1x1x200x64xf32, #tpu.memory_space<vmem>> -> memref<200x64xf32, #tpu.memory_space<vmem>>
      %dma_start3A_157 = arith.constant 0 : i32
      %dma_start3A_158 = tpu.memref_slice %arg5[%add3A_150, %dma_start3A_157] : memref<128x200xi32, #tpu.memory_space<vmem>> -> memref<1x200xi32, #tpu.memory_space<vmem>>
      %dma_start3A_159 = tpu.memref_squeeze %dma_start3A_158 : memref<1x200xi32, #tpu.memory_space<vmem>> -> memref<200xi32, #tpu.memory_space<vmem>>
      %dma_start3A_160 = arith.constant 0 : i32
      %dma_start3A_161 = arith.constant 0 : i32
      %dma_start3A_162 = tpu.memref_slice %arg3[%dma_start3A_160, %dma_start3A_161] : memref<1000000x64xf32, #tpu.memory_space<hbm>> -> memref<1000000x64xf32, #tpu.memory_space<hbm>>
      tpu.enqueue_indirect_dma source(%dma_start3A_162 : memref<1000000x64xf32, #tpu.memory_space<hbm>>) target(%dma_start3A_156 : memref<200x64xf32, #tpu.memory_space<vmem>>) offsets(%dma_start3A_159 : memref<200xi32, #tpu.memory_space<vmem>>) semaphore(%arg8 : memref<!tpu.dma_semaphore, #tpu.memory_space<semaphore_mem>>)
      %dma_wait3A_163 = arith.constant 0 : i32
      %dma_wait3A_164 = arith.constant 0 : i32
      %dma_wait3A_165 = arith.constant 0 : i32
      %dma_wait3A_166 = arith.constant 0 : i32
      %dma_wait3A_167 = arith.constant 0 : i32
      %dma_wait3A_168 = tpu.memref_slice %arg6[%dma_wait3A_164, %dma_wait3A_165, %dma_wait3A_166, %dma_wait3A_167] : memref<2x4x200x64xf32, #tpu.memory_space<vmem>> -> memref<1x1x200x64xf32, #tpu.memory_space<vmem>>
      %dma_wait3A_169 = tpu.memref_squeeze %dma_wait3A_168 : memref<1x1x200x64xf32, #tpu.memory_space<vmem>> -> memref<200x64xf32, #tpu.memory_space<vmem>>
      %dma_wait3A_170 = arith.constant 0 : i32
      %dma_wait3A_171 = tpu.memref_slice %arg5[%dma_wait3A_163, %dma_wait3A_170] : memref<128x200xi32, #tpu.memory_space<vmem>> -> memref<1x200xi32, #tpu.memory_space<vmem>>
      %dma_wait3A_172 = tpu.memref_squeeze %dma_wait3A_171 : memref<1x200xi32, #tpu.memory_space<vmem>> -> memref<200xi32, #tpu.memory_space<vmem>>
      %dma_wait3A_173 = arith.constant 0 : i32
      %dma_wait3A_174 = arith.constant 0 : i32
      %dma_wait3A_175 = tpu.memref_slice %arg3[%dma_wait3A_173, %dma_wait3A_174] : memref<1000000x64xf32, #tpu.memory_space<hbm>> -> memref<1000000x64xf32, #tpu.memory_space<hbm>>
      tpu.wait_indirect_dma semaphore(%arg7 : memref<!tpu.dma_semaphore, #tpu.memory_space<semaphore_mem>>) src(%dma_wait3A_175 : memref<1000000x64xf32, #tpu.memory_space<hbm>>) dst(%dma_wait3A_169 : memref<200x64xf32, #tpu.memory_space<vmem>>)
      %dma_wait3A_176 = arith.constant 1 : i32
      %dma_wait3A_177 = arith.constant 0 : i32
      %dma_wait3A_178 = arith.constant 1 : i32
      %dma_wait3A_179 = arith.constant 0 : i32
      %dma_wait3A_180 = arith.constant 0 : i32
      %dma_wait3A_181 = tpu.memref_slice %arg6[%dma_wait3A_177, %dma_wait3A_178, %dma_wait3A_179, %dma_wait3A_180] : memref<2x4x200x64xf32, #tpu.memory_space<vmem>> -> memref<1x1x200x64xf32, #tpu.memory_space<vmem>>
      %dma_wait3A_182 = tpu.memref_squeeze %dma_wait3A_181 : memref<1x1x200x64xf32, #tpu.memory_space<vmem>> -> memref<200x64xf32, #tpu.memory_space<vmem>>
      %dma_wait3A_183 = arith.constant 0 : i32
      %dma_wait3A_184 = tpu.memref_slice %arg5[%dma_wait3A_176, %dma_wait3A_183] : memref<128x200xi32, #tpu.memory_space<vmem>> -> memref<1x200xi32, #tpu.memory_space<vmem>>
      %dma_wait3A_185 = tpu.memref_squeeze %dma_wait3A_184 : memref<1x200xi32, #tpu.memory_space<vmem>> -> memref<200xi32, #tpu.memory_space<vmem>>
      %dma_wait3A_186 = arith.constant 0 : i32
      %dma_wait3A_187 = arith.constant 0 : i32
      %dma_wait3A_188 = tpu.memref_slice %arg3[%dma_wait3A_186, %dma_wait3A_187] : memref<1000000x64xf32, #tpu.memory_space<hbm>> -> memref<1000000x64xf32, #tpu.memory_space<hbm>>
      tpu.wait_indirect_dma semaphore(%arg7 : memref<!tpu.dma_semaphore, #tpu.memory_space<semaphore_mem>>) src(%dma_wait3A_188 : memref<1000000x64xf32, #tpu.memory_space<hbm>>) dst(%dma_wait3A_182 : memref<200x64xf32, #tpu.memory_space<vmem>>)
      %dma_wait3A_189 = arith.constant 2 : i32
      %dma_wait3A_190 = arith.constant 0 : i32
      %dma_wait3A_191 = arith.constant 2 : i32
      %dma_wait3A_192 = arith.constant 0 : i32
      %dma_wait3A_193 = arith.constant 0 : i32
      %dma_wait3A_194 = tpu.memref_slice %arg6[%dma_wait3A_190, %dma_wait3A_191, %dma_wait3A_192, %dma_wait3A_193] : memref<2x4x200x64xf32, #tpu.memory_space<vmem>> -> memref<1x1x200x64xf32, #tpu.memory_space<vmem>>
      %dma_wait3A_195 = tpu.memref_squeeze %dma_wait3A_194 : memref<1x1x200x64xf32, #tpu.memory_space<vmem>> -> memref<200x64xf32, #tpu.memory_space<vmem>>
      %dma_wait3A_196 = arith.constant 0 : i32
      %dma_wait3A_197 = tpu.memref_slice %arg5[%dma_wait3A_189, %dma_wait3A_196] : memref<128x200xi32, #tpu.memory_space<vmem>> -> memref<1x200xi32, #tpu.memory_space<vmem>>
      %dma_wait3A_198 = tpu.memref_squeeze %dma_wait3A_197 : memref<1x200xi32, #tpu.memory_space<vmem>> -> memref<200xi32, #tpu.memory_space<vmem>>
      %dma_wait3A_199 = arith.constant 0 : i32
      %dma_wait3A_200 = arith.constant 0 : i32
      %dma_wait3A_201 = tpu.memref_slice %arg3[%dma_wait3A_199, %dma_wait3A_200] : memref<1000000x64xf32, #tpu.memory_space<hbm>> -> memref<1000000x64xf32, #tpu.memory_space<hbm>>
      tpu.wait_indirect_dma semaphore(%arg7 : memref<!tpu.dma_semaphore, #tpu.memory_space<semaphore_mem>>) src(%dma_wait3A_201 : memref<1000000x64xf32, #tpu.memory_space<hbm>>) dst(%dma_wait3A_195 : memref<200x64xf32, #tpu.memory_space<vmem>>)
      %dma_wait3A_202 = arith.constant 3 : i32
      %dma_wait3A_203 = arith.constant 0 : i32
      %dma_wait3A_204 = arith.constant 3 : i32
      %dma_wait3A_205 = arith.constant 0 : i32
      %dma_wait3A_206 = arith.constant 0 : i32
      %dma_wait3A_207 = tpu.memref_slice %arg6[%dma_wait3A_203, %dma_wait3A_204, %dma_wait3A_205, %dma_wait3A_206] : memref<2x4x200x64xf32, #tpu.memory_space<vmem>> -> memref<1x1x200x64xf32, #tpu.memory_space<vmem>>
      %dma_wait3A_208 = tpu.memref_squeeze %dma_wait3A_207 : memref<1x1x200x64xf32, #tpu.memory_space<vmem>> -> memref<200x64xf32, #tpu.memory_space<vmem>>
      %dma_wait3A_209 = arith.constant 0 : i32
      %dma_wait3A_210 = tpu.memref_slice %arg5[%dma_wait3A_202, %dma_wait3A_209] : memref<128x200xi32, #tpu.memory_space<vmem>> -> memref<1x200xi32, #tpu.memory_space<vmem>>
      %dma_wait3A_211 = tpu.memref_squeeze %dma_wait3A_210 : memref<1x200xi32, #tpu.memory_space<vmem>> -> memref<200xi32, #tpu.memory_space<vmem>>
      %dma_wait3A_212 = arith.constant 0 : i32
      %dma_wait3A_213 = arith.constant 0 : i32
      %dma_wait3A_214 = tpu.memref_slice %arg3[%dma_wait3A_212, %dma_wait3A_213] : memref<1000000x64xf32, #tpu.memory_space<hbm>> -> memref<1000000x64xf32, #tpu.memory_space<hbm>>
      tpu.wait_indirect_dma semaphore(%arg7 : memref<!tpu.dma_semaphore, #tpu.memory_space<semaphore_mem>>) src(%dma_wait3A_214 : memref<1000000x64xf32, #tpu.memory_space<hbm>>) dst(%dma_wait3A_208 : memref<200x64xf32, #tpu.memory_space<vmem>>)
      %mul3A_215 = arith.constant 4 : i32
      %mul3A_216 = arith.muli %mul3A_94, %mul3A_215 : i32
      %add3A_217 = arith.addi %mul3A_2, %mul3A_216 : i32
      %dma_start3A_218 = arith.constant 0 : i32
      %dma_start3A_219 = arith.constant 0 : i32
      %dma_start3A_220 = arith.constant 0 : i32
      %dma_start3A_221 = arith.constant 0 : i32
      %dma_start3A_222 = tpu.memref_slice %arg6[%dma_start3A_218, %dma_start3A_219, %dma_start3A_220, %dma_start3A_221] : memref<2x4x200x64xf32, #tpu.memory_space<vmem>> -> memref<1x4x200x64xf32, #tpu.memory_space<vmem>>
      %dma_start3A_223 = tpu.memref_squeeze %dma_start3A_222 : memref<1x4x200x64xf32, #tpu.memory_space<vmem>> -> memref<4x200x64xf32, #tpu.memory_space<vmem>>
      %dma_start3A_224 = arith.constant 0 : i32
      %dma_start3A_225 = arith.constant 0 : i32
      %dma_start3A_226 = tpu.memref_slice %arg4[%add3A_217, %dma_start3A_224, %dma_start3A_225] : memref<4096x200x64xf32, #tpu.memory_space<hbm>> -> memref<4x200x64xf32, #tpu.memory_space<hbm>>
      %dma_start3A_227 = arith.constant 0 : i32
      %dma_start3A_228 = arith.constant 0 : i32
      %dma_start3A_229 = tpu.memref_slice %arg4[%add3A_217, %dma_start3A_227, %dma_start3A_228] : memref<4096x200x64xf32, #tpu.memory_space<hbm>> -> memref<4x200x64xf32, #tpu.memory_space<hbm>>
      %dma_start3A_230 = arith.constant 0 : i32
      %dma_start3A_231 = arith.constant 0 : i32
      %dma_start3A_232 = arith.constant 0 : i32
      %dma_start3A_233 = tpu.memref_slice %arg6[%dma_start3A_218, %dma_start3A_230, %dma_start3A_231, %dma_start3A_232] : memref<2x4x200x64xf32, #tpu.memory_space<vmem>> -> memref<1x4x200x64xf32, #tpu.memory_space<vmem>>
      %dma_start3A_234 = tpu.memref_squeeze %dma_start3A_233 : memref<1x4x200x64xf32, #tpu.memory_space<vmem>> -> memref<4x200x64xf32, #tpu.memory_space<vmem>>
      tpu.enqueue_dma source(%dma_start3A_234 : memref<4x200x64xf32, #tpu.memory_space<vmem>>) target(%dma_start3A_229 : memref<4x200x64xf32, #tpu.memory_space<hbm>>) target_semaphore(%arg9 : memref<!tpu.dma_semaphore, #tpu.memory_space<semaphore_mem>>)
      %add3A_235 = arith.constant 1 : i32
      %add3A_236 = arith.addi %scan3A_92, %add3A_235 : i32
      %lt3A = arith.constant 16 : i32
      %lt3A_237 = arith.cmpi slt, %add3A_236, %lt3A : i32
      %convert_element_type3A_238 = arith.extui %lt3A_237 : i1 to i32
      %cond3A_239 = arith.constant 0 : i32
      %cond3A_240 = arith.cmpi ne, %convert_element_type3A_238, %cond3A_239 : i32
      scf.if %cond3A_240 {
        %dma_wait3A_315 = arith.constant 0 : i32
        %dma_wait3A_316 = arith.constant 0 : i32
        %dma_wait3A_317 = arith.constant 0 : i32
        %dma_wait3A_318 = arith.constant 0 : i32
        %dma_wait3A_319 = tpu.memref_slice %arg6[%dma_wait3A_315, %dma_wait3A_316, %dma_wait3A_317, %dma_wait3A_318] : memref<2x4x200x64xf32, #tpu.memory_space<vmem>> -> memref<1x4x200x64xf32, #tpu.memory_space<vmem>>
        %dma_wait3A_320 = tpu.memref_squeeze %dma_wait3A_319 : memref<1x4x200x64xf32, #tpu.memory_space<vmem>> -> memref<4x200x64xf32, #tpu.memory_space<vmem>>
        %dma_wait3A_321 = arith.constant 0 : i32
        %dma_wait3A_322 = arith.constant 0 : i32
        %dma_wait3A_323 = tpu.memref_slice %arg4[%mul3A_2, %dma_wait3A_321, %dma_wait3A_322] : memref<4096x200x64xf32, #tpu.memory_space<hbm>> -> memref<4x200x64xf32, #tpu.memory_space<hbm>>
        %dma_wait3A_324 = arith.constant 0 : i32
        %dma_wait3A_325 = arith.constant 0 : i32
        %dma_wait3A_326 = tpu.memref_slice %arg4[%mul3A_2, %dma_wait3A_324, %dma_wait3A_325] : memref<4096x200x64xf32, #tpu.memory_space<hbm>> -> memref<4x200x64xf32, #tpu.memory_space<hbm>>
        %dma_wait3A_327 = arith.constant 0 : i32
        %dma_wait3A_328 = arith.constant 0 : i32
        %dma_wait3A_329 = arith.constant 0 : i32
        %dma_wait3A_330 = tpu.memref_slice %arg6[%dma_wait3A_315, %dma_wait3A_327, %dma_wait3A_328, %dma_wait3A_329] : memref<2x4x200x64xf32, #tpu.memory_space<vmem>> -> memref<1x4x200x64xf32, #tpu.memory_space<vmem>>
        %dma_wait3A_331 = tpu.memref_squeeze %dma_wait3A_330 : memref<1x4x200x64xf32, #tpu.memory_space<vmem>> -> memref<4x200x64xf32, #tpu.memory_space<vmem>>
        tpu.wait_dma2 semaphore(%arg9 : memref<!tpu.dma_semaphore, #tpu.memory_space<semaphore_mem>>) src(%dma_wait3A_331 : memref<4x200x64xf32, #tpu.memory_space<vmem>>) dst(%dma_wait3A_326 : memref<4x200x64xf32, #tpu.memory_space<hbm>>)
        %add3A_332 = arith.constant 2 : i32
        %add3A_333 = arith.addi %mul3A_94, %add3A_332 : i32
        %mul3A_334 = arith.constant 4 : i32
        %mul3A_335 = arith.muli %add3A_333, %mul3A_334 : i32
        %add3A_336 = arith.constant 0 : i32
        %add3A_337 = arith.addi %mul3A_335, %add3A_336 : i32
        %dma_start3A_338 = arith.constant 0 : i32
        %dma_start3A_339 = arith.constant 0 : i32
        %dma_start3A_340 = arith.constant 0 : i32
        %dma_start3A_341 = arith.constant 0 : i32
        %dma_start3A_342 = tpu.memref_slice %arg6[%dma_start3A_338, %dma_start3A_339, %dma_start3A_340, %dma_start3A_341] : memref<2x4x200x64xf32, #tpu.memory_space<vmem>> -> memref<1x1x200x64xf32, #tpu.memory_space<vmem>>
        %dma_start3A_343 = tpu.memref_squeeze %dma_start3A_342 : memref<1x1x200x64xf32, #tpu.memory_space<vmem>> -> memref<200x64xf32, #tpu.memory_space<vmem>>
        %dma_start3A_344 = arith.constant 0 : i32
        %dma_start3A_345 = tpu.memref_slice %arg5[%add3A_337, %dma_start3A_344] : memref<128x200xi32, #tpu.memory_space<vmem>> -> memref<1x200xi32, #tpu.memory_space<vmem>>
        %dma_start3A_346 = tpu.memref_squeeze %dma_start3A_345 : memref<1x200xi32, #tpu.memory_space<vmem>> -> memref<200xi32, #tpu.memory_space<vmem>>
        %dma_start3A_347 = arith.constant 0 : i32
        %dma_start3A_348 = arith.constant 0 : i32
        %dma_start3A_349 = tpu.memref_slice %arg3[%dma_start3A_347, %dma_start3A_348] : memref<1000000x64xf32, #tpu.memory_space<hbm>> -> memref<1000000x64xf32, #tpu.memory_space<hbm>>
        tpu.enqueue_indirect_dma source(%dma_start3A_349 : memref<1000000x64xf32, #tpu.memory_space<hbm>>) target(%dma_start3A_343 : memref<200x64xf32, #tpu.memory_space<vmem>>) offsets(%dma_start3A_346 : memref<200xi32, #tpu.memory_space<vmem>>) semaphore(%arg7 : memref<!tpu.dma_semaphore, #tpu.memory_space<semaphore_mem>>)
        %mul3A_350 = arith.constant 4 : i32
        %mul3A_351 = arith.muli %add3A_333, %mul3A_350 : i32
        %add3A_352 = arith.constant 1 : i32
        %add3A_353 = arith.addi %mul3A_351, %add3A_352 : i32
        %dma_start3A_354 = arith.constant 0 : i32
        %dma_start3A_355 = arith.constant 1 : i32
        %dma_start3A_356 = arith.constant 0 : i32
        %dma_start3A_357 = arith.constant 0 : i32
        %dma_start3A_358 = tpu.memref_slice %arg6[%dma_start3A_354, %dma_start3A_355, %dma_start3A_356, %dma_start3A_357] : memref<2x4x200x64xf32, #tpu.memory_space<vmem>> -> memref<1x1x200x64xf32, #tpu.memory_space<vmem>>
        %dma_start3A_359 = tpu.memref_squeeze %dma_start3A_358 : memref<1x1x200x64xf32, #tpu.memory_space<vmem>> -> memref<200x64xf32, #tpu.memory_space<vmem>>
        %dma_start3A_360 = arith.constant 0 : i32
        %dma_start3A_361 = tpu.memref_slice %arg5[%add3A_353, %dma_start3A_360] : memref<128x200xi32, #tpu.memory_space<vmem>> -> memref<1x200xi32, #tpu.memory_space<vmem>>
        %dma_start3A_362 = tpu.memref_squeeze %dma_start3A_361 : memref<1x200xi32, #tpu.memory_space<vmem>> -> memref<200xi32, #tpu.memory_space<vmem>>
        %dma_start3A_363 = arith.constant 0 : i32
        %dma_start3A_364 = arith.constant 0 : i32
        %dma_start3A_365 = tpu.memref_slice %arg3[%dma_start3A_363, %dma_start3A_364] : memref<1000000x64xf32, #tpu.memory_space<hbm>> -> memref<1000000x64xf32, #tpu.memory_space<hbm>>
        tpu.enqueue_indirect_dma source(%dma_start3A_365 : memref<1000000x64xf32, #tpu.memory_space<hbm>>) target(%dma_start3A_359 : memref<200x64xf32, #tpu.memory_space<vmem>>) offsets(%dma_start3A_362 : memref<200xi32, #tpu.memory_space<vmem>>) semaphore(%arg7 : memref<!tpu.dma_semaphore, #tpu.memory_space<semaphore_mem>>)
        %mul3A_366 = arith.constant 4 : i32
        %mul3A_367 = arith.muli %add3A_333, %mul3A_366 : i32
        %add3A_368 = arith.constant 2 : i32
        %add3A_369 = arith.addi %mul3A_367, %add3A_368 : i32
        %dma_start3A_370 = arith.constant 0 : i32
        %dma_start3A_371 = arith.constant 2 : i32
        %dma_start3A_372 = arith.constant 0 : i32
        %dma_start3A_373 = arith.constant 0 : i32
        %dma_start3A_374 = tpu.memref_slice %arg6[%dma_start3A_370, %dma_start3A_371, %dma_start3A_372, %dma_start3A_373] : memref<2x4x200x64xf32, #tpu.memory_space<vmem>> -> memref<1x1x200x64xf32, #tpu.memory_space<vmem>>
        %dma_start3A_375 = tpu.memref_squeeze %dma_start3A_374 : memref<1x1x200x64xf32, #tpu.memory_space<vmem>> -> memref<200x64xf32, #tpu.memory_space<vmem>>
        %dma_start3A_376 = arith.constant 0 : i32
        %dma_start3A_377 = tpu.memref_slice %arg5[%add3A_369, %dma_start3A_376] : memref<128x200xi32, #tpu.memory_space<vmem>> -> memref<1x200xi32, #tpu.memory_space<vmem>>
        %dma_start3A_378 = tpu.memref_squeeze %dma_start3A_377 : memref<1x200xi32, #tpu.memory_space<vmem>> -> memref<200xi32, #tpu.memory_space<vmem>>
        %dma_start3A_379 = arith.constant 0 : i32
        %dma_start3A_380 = arith.constant 0 : i32
        %dma_start3A_381 = tpu.memref_slice %arg3[%dma_start3A_379, %dma_start3A_380] : memref<1000000x64xf32, #tpu.memory_space<hbm>> -> memref<1000000x64xf32, #tpu.memory_space<hbm>>
        tpu.enqueue_indirect_dma source(%dma_start3A_381 : memref<1000000x64xf32, #tpu.memory_space<hbm>>) target(%dma_start3A_375 : memref<200x64xf32, #tpu.memory_space<vmem>>) offsets(%dma_start3A_378 : memref<200xi32, #tpu.memory_space<vmem>>) semaphore(%arg7 : memref<!tpu.dma_semaphore, #tpu.memory_space<semaphore_mem>>)
        %mul3A_382 = arith.constant 4 : i32
        %mul3A_383 = arith.muli %add3A_333, %mul3A_382 : i32
        %add3A_384 = arith.constant 3 : i32
        %add3A_385 = arith.addi %mul3A_383, %add3A_384 : i32
        %dma_start3A_386 = arith.constant 0 : i32
        %dma_start3A_387 = arith.constant 3 : i32
        %dma_start3A_388 = arith.constant 0 : i32
        %dma_start3A_389 = arith.constant 0 : i32
        %dma_start3A_390 = tpu.memref_slice %arg6[%dma_start3A_386, %dma_start3A_387, %dma_start3A_388, %dma_start3A_389] : memref<2x4x200x64xf32, #tpu.memory_space<vmem>> -> memref<1x1x200x64xf32, #tpu.memory_space<vmem>>
        %dma_start3A_391 = tpu.memref_squeeze %dma_start3A_390 : memref<1x1x200x64xf32, #tpu.memory_space<vmem>> -> memref<200x64xf32, #tpu.memory_space<vmem>>
        %dma_start3A_392 = arith.constant 0 : i32
        %dma_start3A_393 = tpu.memref_slice %arg5[%add3A_385, %dma_start3A_392] : memref<128x200xi32, #tpu.memory_space<vmem>> -> memref<1x200xi32, #tpu.memory_space<vmem>>
        %dma_start3A_394 = tpu.memref_squeeze %dma_start3A_393 : memref<1x200xi32, #tpu.memory_space<vmem>> -> memref<200xi32, #tpu.memory_space<vmem>>
        %dma_start3A_395 = arith.constant 0 : i32
        %dma_start3A_396 = arith.constant 0 : i32
        %dma_start3A_397 = tpu.memref_slice %arg3[%dma_start3A_395, %dma_start3A_396] : memref<1000000x64xf32, #tpu.memory_space<hbm>> -> memref<1000000x64xf32, #tpu.memory_space<hbm>>
        tpu.enqueue_indirect_dma source(%dma_start3A_397 : memref<1000000x64xf32, #tpu.memory_space<hbm>>) target(%dma_start3A_391 : memref<200x64xf32, #tpu.memory_space<vmem>>) offsets(%dma_start3A_394 : memref<200xi32, #tpu.memory_space<vmem>>) semaphore(%arg7 : memref<!tpu.dma_semaphore, #tpu.memory_space<semaphore_mem>>)
      } else {
      }
      %dma_wait3A_241 = arith.constant 0 : i32
      %dma_wait3A_242 = arith.constant 1 : i32
      %dma_wait3A_243 = arith.constant 0 : i32
      %dma_wait3A_244 = arith.constant 0 : i32
      %dma_wait3A_245 = arith.constant 0 : i32
      %dma_wait3A_246 = tpu.memref_slice %arg6[%dma_wait3A_242, %dma_wait3A_243, %dma_wait3A_244, %dma_wait3A_245] : memref<2x4x200x64xf32, #tpu.memory_space<vmem>> -> memref<1x1x200x64xf32, #tpu.memory_space<vmem>>
      %dma_wait3A_247 = tpu.memref_squeeze %dma_wait3A_246 : memref<1x1x200x64xf32, #tpu.memory_space<vmem>> -> memref<200x64xf32, #tpu.memory_space<vmem>>
      %dma_wait3A_248 = arith.constant 0 : i32
      %dma_wait3A_249 = tpu.memref_slice %arg5[%dma_wait3A_241, %dma_wait3A_248] : memref<128x200xi32, #tpu.memory_space<vmem>> -> memref<1x200xi32, #tpu.memory_space<vmem>>
      %dma_wait3A_250 = tpu.memref_squeeze %dma_wait3A_249 : memref<1x200xi32, #tpu.memory_space<vmem>> -> memref<200xi32, #tpu.memory_space<vmem>>
      %dma_wait3A_251 = arith.constant 0 : i32
      %dma_wait3A_252 = arith.constant 0 : i32
      %dma_wait3A_253 = tpu.memref_slice %arg3[%dma_wait3A_251, %dma_wait3A_252] : memref<1000000x64xf32, #tpu.memory_space<hbm>> -> memref<1000000x64xf32, #tpu.memory_space<hbm>>
      tpu.wait_indirect_dma semaphore(%arg8 : memref<!tpu.dma_semaphore, #tpu.memory_space<semaphore_mem>>) src(%dma_wait3A_253 : memref<1000000x64xf32, #tpu.memory_space<hbm>>) dst(%dma_wait3A_247 : memref<200x64xf32, #tpu.memory_space<vmem>>)
      %dma_wait3A_254 = arith.constant 1 : i32
      %dma_wait3A_255 = arith.constant 1 : i32
      %dma_wait3A_256 = arith.constant 1 : i32
      %dma_wait3A_257 = arith.constant 0 : i32
      %dma_wait3A_258 = arith.constant 0 : i32
      %dma_wait3A_259 = tpu.memref_slice %arg6[%dma_wait3A_255, %dma_wait3A_256, %dma_wait3A_257, %dma_wait3A_258] : memref<2x4x200x64xf32, #tpu.memory_space<vmem>> -> memref<1x1x200x64xf32, #tpu.memory_space<vmem>>
      %dma_wait3A_260 = tpu.memref_squeeze %dma_wait3A_259 : memref<1x1x200x64xf32, #tpu.memory_space<vmem>> -> memref<200x64xf32, #tpu.memory_space<vmem>>
      %dma_wait3A_261 = arith.constant 0 : i32
      %dma_wait3A_262 = tpu.memref_slice %arg5[%dma_wait3A_254, %dma_wait3A_261] : memref<128x200xi32, #tpu.memory_space<vmem>> -> memref<1x200xi32, #tpu.memory_space<vmem>>
      %dma_wait3A_263 = tpu.memref_squeeze %dma_wait3A_262 : memref<1x200xi32, #tpu.memory_space<vmem>> -> memref<200xi32, #tpu.memory_space<vmem>>
      %dma_wait3A_264 = arith.constant 0 : i32
      %dma_wait3A_265 = arith.constant 0 : i32
      %dma_wait3A_266 = tpu.memref_slice %arg3[%dma_wait3A_264, %dma_wait3A_265] : memref<1000000x64xf32, #tpu.memory_space<hbm>> -> memref<1000000x64xf32, #tpu.memory_space<hbm>>
      tpu.wait_indirect_dma semaphore(%arg8 : memref<!tpu.dma_semaphore, #tpu.memory_space<semaphore_mem>>) src(%dma_wait3A_266 : memref<1000000x64xf32, #tpu.memory_space<hbm>>) dst(%dma_wait3A_260 : memref<200x64xf32, #tpu.memory_space<vmem>>)
      %dma_wait3A_267 = arith.constant 2 : i32
      %dma_wait3A_268 = arith.constant 1 : i32
      %dma_wait3A_269 = arith.constant 2 : i32
      %dma_wait3A_270 = arith.constant 0 : i32
      %dma_wait3A_271 = arith.constant 0 : i32
      %dma_wait3A_272 = tpu.memref_slice %arg6[%dma_wait3A_268, %dma_wait3A_269, %dma_wait3A_270, %dma_wait3A_271] : memref<2x4x200x64xf32, #tpu.memory_space<vmem>> -> memref<1x1x200x64xf32, #tpu.memory_space<vmem>>
      %dma_wait3A_273 = tpu.memref_squeeze %dma_wait3A_272 : memref<1x1x200x64xf32, #tpu.memory_space<vmem>> -> memref<200x64xf32, #tpu.memory_space<vmem>>
      %dma_wait3A_274 = arith.constant 0 : i32
      %dma_wait3A_275 = tpu.memref_slice %arg5[%dma_wait3A_267, %dma_wait3A_274] : memref<128x200xi32, #tpu.memory_space<vmem>> -> memref<1x200xi32, #tpu.memory_space<vmem>>
      %dma_wait3A_276 = tpu.memref_squeeze %dma_wait3A_275 : memref<1x200xi32, #tpu.memory_space<vmem>> -> memref<200xi32, #tpu.memory_space<vmem>>
      %dma_wait3A_277 = arith.constant 0 : i32
      %dma_wait3A_278 = arith.constant 0 : i32
      %dma_wait3A_279 = tpu.memref_slice %arg3[%dma_wait3A_277, %dma_wait3A_278] : memref<1000000x64xf32, #tpu.memory_space<hbm>> -> memref<1000000x64xf32, #tpu.memory_space<hbm>>
      tpu.wait_indirect_dma semaphore(%arg8 : memref<!tpu.dma_semaphore, #tpu.memory_space<semaphore_mem>>) src(%dma_wait3A_279 : memref<1000000x64xf32, #tpu.memory_space<hbm>>) dst(%dma_wait3A_273 : memref<200x64xf32, #tpu.memory_space<vmem>>)
      %dma_wait3A_280 = arith.constant 3 : i32
      %dma_wait3A_281 = arith.constant 1 : i32
      %dma_wait3A_282 = arith.constant 3 : i32
      %dma_wait3A_283 = arith.constant 0 : i32
      %dma_wait3A_284 = arith.constant 0 : i32
      %dma_wait3A_285 = tpu.memref_slice %arg6[%dma_wait3A_281, %dma_wait3A_282, %dma_wait3A_283, %dma_wait3A_284] : memref<2x4x200x64xf32, #tpu.memory_space<vmem>> -> memref<1x1x200x64xf32, #tpu.memory_space<vmem>>
      %dma_wait3A_286 = tpu.memref_squeeze %dma_wait3A_285 : memref<1x1x200x64xf32, #tpu.memory_space<vmem>> -> memref<200x64xf32, #tpu.memory_space<vmem>>
      %dma_wait3A_287 = arith.constant 0 : i32
      %dma_wait3A_288 = tpu.memref_slice %arg5[%dma_wait3A_280, %dma_wait3A_287] : memref<128x200xi32, #tpu.memory_space<vmem>> -> memref<1x200xi32, #tpu.memory_space<vmem>>
      %dma_wait3A_289 = tpu.memref_squeeze %dma_wait3A_288 : memref<1x200xi32, #tpu.memory_space<vmem>> -> memref<200xi32, #tpu.memory_space<vmem>>
      %dma_wait3A_290 = arith.constant 0 : i32
      %dma_wait3A_291 = arith.constant 0 : i32
      %dma_wait3A_292 = tpu.memref_slice %arg3[%dma_wait3A_290, %dma_wait3A_291] : memref<1000000x64xf32, #tpu.memory_space<hbm>> -> memref<1000000x64xf32, #tpu.memory_space<hbm>>
      tpu.wait_indirect_dma semaphore(%arg8 : memref<!tpu.dma_semaphore, #tpu.memory_space<semaphore_mem>>) src(%dma_wait3A_292 : memref<1000000x64xf32, #tpu.memory_space<hbm>>) dst(%dma_wait3A_286 : memref<200x64xf32, #tpu.memory_space<vmem>>)
      %add3A_293 = arith.constant 1 : i32
      %add3A_294 = arith.addi %mul3A_94, %add3A_293 : i32
      %mul3A_295 = arith.constant 4 : i32
      %mul3A_296 = arith.muli %add3A_294, %mul3A_295 : i32
      %add3A_297 = arith.addi %mul3A_2, %mul3A_296 : i32
      %dma_start3A_298 = arith.constant 1 : i32
      %dma_start3A_299 = arith.constant 0 : i32
      %dma_start3A_300 = arith.constant 0 : i32
      %dma_start3A_301 = arith.constant 0 : i32
      %dma_start3A_302 = tpu.memref_slice %arg6[%dma_start3A_298, %dma_start3A_299, %dma_start3A_300, %dma_start3A_301] : memref<2x4x200x64xf32, #tpu.memory_space<vmem>> -> memref<1x4x200x64xf32, #tpu.memory_space<vmem>>
      %dma_start3A_303 = tpu.memref_squeeze %dma_start3A_302 : memref<1x4x200x64xf32, #tpu.memory_space<vmem>> -> memref<4x200x64xf32, #tpu.memory_space<vmem>>
      %dma_start3A_304 = arith.constant 0 : i32
      %dma_start3A_305 = arith.constant 0 : i32
      %dma_start3A_306 = tpu.memref_slice %arg4[%add3A_297, %dma_start3A_304, %dma_start3A_305] : memref<4096x200x64xf32, #tpu.memory_space<hbm>> -> memref<4x200x64xf32, #tpu.memory_space<hbm>>
      %dma_start3A_307 = arith.constant 0 : i32
      %dma_start3A_308 = arith.constant 0 : i32
      %dma_start3A_309 = tpu.memref_slice %arg4[%add3A_297, %dma_start3A_307, %dma_start3A_308] : memref<4096x200x64xf32, #tpu.memory_space<hbm>> -> memref<4x200x64xf32, #tpu.memory_space<hbm>>
      %dma_start3A_310 = arith.constant 0 : i32
      %dma_start3A_311 = arith.constant 0 : i32
      %dma_start3A_312 = arith.constant 0 : i32
      %dma_start3A_313 = tpu.memref_slice %arg6[%dma_start3A_298, %dma_start3A_310, %dma_start3A_311, %dma_start3A_312] : memref<2x4x200x64xf32, #tpu.memory_space<vmem>> -> memref<1x4x200x64xf32, #tpu.memory_space<vmem>>
      %dma_start3A_314 = tpu.memref_squeeze %dma_start3A_313 : memref<1x4x200x64xf32, #tpu.memory_space<vmem>> -> memref<4x200x64xf32, #tpu.memory_space<vmem>>
      tpu.enqueue_dma source(%dma_start3A_314 : memref<4x200x64xf32, #tpu.memory_space<vmem>>) target(%dma_start3A_309 : memref<4x200x64xf32, #tpu.memory_space<hbm>>) target_semaphore(%arg10 : memref<!tpu.dma_semaphore, #tpu.memory_space<semaphore_mem>>)
    }
    %scan3A_58 = arith.constant 16 : i32
    %dma_wait3A = arith.constant 0 : i32
    %dma_wait3A_59 = arith.constant 0 : i32
    %dma_wait3A_60 = arith.constant 0 : i32
    %dma_wait3A_61 = arith.constant 0 : i32
    %dma_wait3A_62 = tpu.memref_slice %arg6[%dma_wait3A, %dma_wait3A_59, %dma_wait3A_60, %dma_wait3A_61] : memref<2x4x200x64xf32, #tpu.memory_space<vmem>> -> memref<1x4x200x64xf32, #tpu.memory_space<vmem>>
    %dma_wait3A_63 = tpu.memref_squeeze %dma_wait3A_62 : memref<1x4x200x64xf32, #tpu.memory_space<vmem>> -> memref<4x200x64xf32, #tpu.memory_space<vmem>>
    %dma_wait3A_64 = arith.constant 0 : i32
    %dma_wait3A_65 = arith.constant 0 : i32
    %dma_wait3A_66 = tpu.memref_slice %arg4[%mul3A_2, %dma_wait3A_64, %dma_wait3A_65] : memref<4096x200x64xf32, #tpu.memory_space<hbm>> -> memref<4x200x64xf32, #tpu.memory_space<hbm>>
    %dma_wait3A_67 = arith.constant 0 : i32
    %dma_wait3A_68 = arith.constant 0 : i32
    %dma_wait3A_69 = tpu.memref_slice %arg4[%mul3A_2, %dma_wait3A_67, %dma_wait3A_68] : memref<4096x200x64xf32, #tpu.memory_space<hbm>> -> memref<4x200x64xf32, #tpu.memory_space<hbm>>
    %dma_wait3A_70 = arith.constant 0 : i32
    %dma_wait3A_71 = arith.constant 0 : i32
    %dma_wait3A_72 = arith.constant 0 : i32
    %dma_wait3A_73 = tpu.memref_slice %arg6[%dma_wait3A, %dma_wait3A_70, %dma_wait3A_71, %dma_wait3A_72] : memref<2x4x200x64xf32, #tpu.memory_space<vmem>> -> memref<1x4x200x64xf32, #tpu.memory_space<vmem>>
    %dma_wait3A_74 = tpu.memref_squeeze %dma_wait3A_73 : memref<1x4x200x64xf32, #tpu.memory_space<vmem>> -> memref<4x200x64xf32, #tpu.memory_space<vmem>>
    tpu.wait_dma2 semaphore(%arg9 : memref<!tpu.dma_semaphore, #tpu.memory_space<semaphore_mem>>) src(%dma_wait3A_74 : memref<4x200x64xf32, #tpu.memory_space<vmem>>) dst(%dma_wait3A_69 : memref<4x200x64xf32, #tpu.memory_space<hbm>>)
    %dma_wait3A_75 = arith.constant 1 : i32
    %dma_wait3A_76 = arith.constant 0 : i32
    %dma_wait3A_77 = arith.constant 0 : i32
    %dma_wait3A_78 = arith.constant 0 : i32
    %dma_wait3A_79 = tpu.memref_slice %arg6[%dma_wait3A_75, %dma_wait3A_76, %dma_wait3A_77, %dma_wait3A_78] : memref<2x4x200x64xf32, #tpu.memory_space<vmem>> -> memref<1x4x200x64xf32, #tpu.memory_space<vmem>>
    %dma_wait3A_80 = tpu.memref_squeeze %dma_wait3A_79 : memref<1x4x200x64xf32, #tpu.memory_space<vmem>> -> memref<4x200x64xf32, #tpu.memory_space<vmem>>
    %dma_wait3A_81 = arith.constant 0 : i32
    %dma_wait3A_82 = arith.constant 0 : i32
    %dma_wait3A_83 = tpu.memref_slice %arg4[%mul3A_2, %dma_wait3A_81, %dma_wait3A_82] : memref<4096x200x64xf32, #tpu.memory_space<hbm>> -> memref<4x200x64xf32, #tpu.memory_space<hbm>>
    %dma_wait3A_84 = arith.constant 0 : i32
    %dma_wait3A_85 = arith.constant 0 : i32
    %dma_wait3A_86 = tpu.memref_slice %arg4[%mul3A_2, %dma_wait3A_84, %dma_wait3A_85] : memref<4096x200x64xf32, #tpu.memory_space<hbm>> -> memref<4x200x64xf32, #tpu.memory_space<hbm>>
    %dma_wait3A_87 = arith.constant 0 : i32
    %dma_wait3A_88 = arith.constant 0 : i32
    %dma_wait3A_89 = arith.constant 0 : i32
    %dma_wait3A_90 = tpu.memref_slice %arg6[%dma_wait3A_75, %dma_wait3A_87, %dma_wait3A_88, %dma_wait3A_89] : memref<2x4x200x64xf32, #tpu.memory_space<vmem>> -> memref<1x4x200x64xf32, #tpu.memory_space<vmem>>
    %dma_wait3A_91 = tpu.memref_squeeze %dma_wait3A_90 : memref<1x4x200x64xf32, #tpu.memory_space<vmem>> -> memref<4x200x64xf32, #tpu.memory_space<vmem>>
    tpu.wait_dma2 semaphore(%arg10 : memref<!tpu.dma_semaphore, #tpu.memory_space<semaphore_mem>>) src(%dma_wait3A_91 : memref<4x200x64xf32, #tpu.memory_space<vmem>>) dst(%dma_wait3A_86 : memref<4x200x64xf32, #tpu.memory_space<hbm>>)
    return
  }
}

</mosaic_0001>

<sc_bundles>
// kernel: kernel.3.cloned.1.call-start
scs
__scs_entry_jumppad:
0x0: {  	(pc) =	sbr.rel $0x88, $3  }
0x1: {  	(tag) =	ssettag $0x0;
	lr =	simm.s32 $0x1  }
0x2: {  	[smem:$0x3F9F] =	sst lr;
	_ =	strace $0xD0000000  }
0x3: {  	_ = 	snop  }
0x4: {  	_ = 	snop  }
0x5: {  	_ = 	snop  }
0x6: {  	_ = 	snop  }
0x7: {  	_ = 	snop  }
__scs_overlays_trampoline_lowered:
0x8: {  	[smem:$0x3FAE] =	sst s0  }
0x9: {  	[smem:$0x3FAF] =	sst s1  }
0xa: {  	[smem:$0x3FB0] =	sst s2  }
0xb: {  	[smem:$0x3FB1] =	sst s3  }
0xc: {  	[smem:$0x3FB2] =	sst s4  }
0xd: {  	[smem:$0x3FB3] =	sst s5  }
0xe: {  	[smem:$0x3FB4] =	sst s6  }
0xf: {  	[smem:$0x3FB5] =	sst s7  }
0x10: {  	[smem:$0x3FB6] =	sst s8  }
0x11: {  	[smem:$0x3FB7] =	sst s9;
	s0 =	simm.s32 @!p0 $0x0  }
0x12: {  	s1 =	sld [smem:$0x3F9D];
	s0 =	simm.s32 @p0 $0x1  }
0x13: {  	[smem:$0x3FB8] =	sst s0;
	s0 =	simm.s32 @!p1 $0x0  }
0x14: {  	s2 =	sld [smem:$0x3F9C];
	s0 =	simm.s32 @p1 $0x1  }
0x15: {  	[smem:$0x3FB9] =	sst s0;
	s0 =	simm.s32 @!p2 $0x0  }
0x16: {  	s3 =	sld [smem:$0x3FDB];
	s0 =	simm.s32 @p2 $0x1  }
0x17: {  	s4 =	simm.s32 $0x1BF5;
	[smem:$0x3FBB] =	sst s0  }
0x18: {  	s0 =	sld [smem:$0x3F9E];
	_ =	swait.ge [sflag:s4], $0x0  }
0x19: {  	s7 =	sld [smem:$0x3F9F]  }
0x1a: {  	s8 =	sadd.s32 $0xFFFFE003, lr  }
0x1b: {  	s9 =	sadd.s32 $0xFFFFFEF7, lr;
	s5 =	simm.s32 $0xFFFFFFFF;
	p2 =	slt.u32 s8, $0xFFFFF086  }
0x1c: {  	p1 =	slt.u32 s9, $0xF7A;
	s5 =	simm.s32 @!p2 $0x0  }
0x1d: {  	s5 =	simm.s32 @p1 $0x1;
	p0 =	seq.s32 s7, s2  }
0x1e: {  	s7 =	smul.u32 @!p0 $0xF7A, s2;
	p2 =	seq.s32 @!p0 s5, $0x0  }
0x1f: {  	s9 =	smul.u32 $0xF7A, s1;
	s8 =	simm.s32 @!p0 $0x1BF5;
	p2 =	por !p2, p0  }
0x20: {  	[sflag:s8] =	ssyncset.s32 @!p0 $0xFFFFF086;
	s6 =	sadd.s32 @!p0 s3, s7;
	s7 =	simm.s32 @!p0 $0x108  }
0x21: {  	s3 =	sadd.s32 s3, s9;
	s6 =	sadd.s32 @!p0 $0x88, s6;
	s7 =	simm.s32 @p2 $0x1082  }
0x22: {  	[simem:s7], [sflag:s8] =	dma.local @!p0 [hbm:s6], $0xF7A  }
0x23: {  	s9 =	sor.u32 $0xD0000000, s2;
	s6 =	simm.s32 $0x108;
	_ =	swait.ge @!p0 [sflag:s8], $0x0  }
0x24: {  	s3 =	sadd.s32 $0x88, s3;
	s6 =	simm.s32 @!p1 $0x1082;
	[sflag:s4] =	ssyncset.s32 $0xFFFFF086  }
0x25: {  	[simem:s6], [sflag:s4] =	dma.local [hbm:s3], $0xF7A  }
0x26: {  	[smem:$0x3F9F] =	sst s1;
	(tag) =	ssettag s2;
	_ =	strace s9  }
0x27: {  	s1 =	sld [smem:$0x3FAF]  }
0x28: {  	s2 =	sld [smem:$0x3FB0]  }
0x29: {  	s4 =	sld [smem:$0x3FB2]  }
0x2a: {  	p0 =	seq.s32 s5, $0x0;
	s5 =	sld [smem:$0x3FB3]  }
0x2b: {  	s6 =	sld [smem:$0x3FB4]  }
0x2c: {  	s7 =	sld [smem:$0x3FB5]  }
0x2d: {  	s3 =	simm.s32 $0x108;
	s8 =	sld [smem:$0x3FB6]  }
0x2e: {  	s3 =	simm.s32 @!p0 $0x1082;
	s9 =	sld [smem:$0x3FB7]  }
0x2f: {  	lr =	sadd.s32 s0, s3;
	s0 =	sld [smem:$0x3FAE]  }
0x30: {  	s3 =	sld [smem:$0x3FB1]  }
0x31: {  	[smem:$0x3FBA] =	sst s10  }
0x32: {  	s10 =	sld [smem:$0x3FB8];
	_ =	sdelay $0x3  }
0x33: {  	p0 =	seq.s32 s10, $0x1;
	s10 =	sld [smem:$0x3FBA];
	_ =	sdelay $0x3  }
0x34: {  	[smem:$0x3FBA] =	sst s10  }
0x35: {  	s10 =	sld [smem:$0x3FB9];
	_ =	sdelay $0x3  }
0x36: {  	p1 =	seq.s32 s10, $0x1;
	s10 =	sld [smem:$0x3FBA];
	_ =	sdelay $0x3  }
0x37: {  	[smem:$0x3FBA] =	sst s10  }
0x38: {  	s10 =	sld [smem:$0x3FBB]  }
0x39: {  	_ = 	snop;
	(pc) =	sbr.ind lr, $3  }
0x3a: {  	_ = 	snop  }
0x3b: {  	_ = 	snop  }
0x3c: {  	p2 =	seq.s32 s10, $0x1;
	s10 =	sld [smem:$0x3FBA]  }
0x3d: {  	_ =	shalt  }
0x3e: {  	_ =	shalt  }
0x3f: {  	_ =	shalt  }
0x40: {  	_ =	shalt  }
0x41: {  	_ =	shalt  }
0x42: {  	_ =	shalt  }
0x43: {  	_ =	shalt  }
0x44: {  	_ =	shalt  }
0x45: {  	_ =	shalt  }
0x46: {  	_ =	shalt  }
0x47: {  	_ =	shalt  }
0x48: {  	_ =	shalt  }
0x49: {  	_ =	shalt  }
0x4a: {  	_ =	shalt  }
0x4b: {  	_ =	shalt  }
0x4c: {  	_ =	shalt  }
0x4d: {  	_ =	shalt  }
0x4e: {  	_ =	shalt  }
0x4f: {  	_ =	shalt  }
0x50: {  	_ =	shalt  }
0x51: {  	_ =	shalt  }
0x52: {  	_ =	shalt  }
0x53: {  	_ =	shalt  }
0x54: {  	_ =	shalt  }
0x55: {  	_ =	shalt  }
0x56: {  	_ =	shalt  }
0x57: {  	_ =	shalt  }
0x58: {  	_ =	shalt  }
0x59: {  	_ =	shalt  }
0x5a: {  	_ =	shalt  }
0x5b: {  	_ =	shalt  }
0x5c: {  	_ =	shalt  }
0x5d: {  	_ =	shalt  }
0x5e: {  	_ =	shalt  }
0x5f: {  	_ =	shalt  }
0x60: {  	_ =	shalt  }
0x61: {  	_ =	shalt  }
0x62: {  	_ =	shalt  }
0x63: {  	_ =	shalt  }
0x64: {  	_ =	shalt  }
0x65: {  	_ =	shalt  }
0x66: {  	_ =	shalt  }
0x67: {  	_ =	shalt  }
0x68: {  	_ =	shalt  }
0x69: {  	_ =	shalt  }
0x6a: {  	_ =	shalt  }
0x6b: {  	_ =	shalt  }
0x6c: {  	_ =	shalt  }
0x6d: {  	_ =	shalt  }
0x6e: {  	_ =	shalt  }
0x6f: {  	_ =	shalt  }
0x70: {  	_ =	shalt  }
0x71: {  	_ =	shalt  }
0x72: {  	_ =	shalt  }
0x73: {  	_ =	shalt  }
0x74: {  	_ =	shalt  }
0x75: {  	_ =	shalt  }
0x76: {  	_ =	shalt  }
0x77: {  	_ =	shalt  }
0x78: {  	_ =	shalt  }
0x79: {  	_ =	shalt  }
0x7a: {  	_ =	shalt  }
0x7b: {  	_ =	shalt  }
0x7c: {  	_ =	shalt  }
0x7d: {  	_ =	shalt  }
0x7e: {  	_ =	shalt  }
0x7f: {  	_ =	shalt  }
0x80: {  	_ =	shalt  }
0x81: {  	_ =	shalt  }
0x82: {  	_ =	shalt  }
0x83: {  	_ =	shalt  }
0x84: {  	_ =	shalt  }
0x85: {  	_ =	shalt  }
0x86: {  	_ =	shalt  }
0x87: {  	_ =	shalt  }
.Lfunc_end0:
.L_simem_size_0:
called_computation.1_lowered:
.L_overlay_start_0:
0x88: {  	s2 =	sld [smem:$0x3FD9]  }
0x89: {  	s3 =	sld [smem:$0x3FFE];
	_ =	sdelay $0x1  }
0x8a: {  	s1 =	srdreg.scid  }
0x8b: {  	s0 =	sand.u32 $0x1, s1  }
0x8c: {  	s17 =	sshll.u32 s0, $0xA;
	s2 =	sadd.s32 s3, s2  }
0x8d: {  	s2 =	sadd.s32 s2, s17  }
0x8e: {  	[smem:$0x3FC6] =	sst s2  }
0x8f: {  	_ = 	snop  }
0x90: {  	s2 =	sld [smem:$0x3FD0];
	(tm) =	ssettm $0x1  }
0x91: {  	s18 =	sld [smem:$0x3FFB];
	_ =	sdelay $0x3  }
0x92: {  	_ =	strace s18  }
0x93: {  	s3 =	sld [smem:$0x3FFC];
	_ =	sdelay $0x3  }
0x94: {  	_ =	strace s3  }
0x95: {  	s3 =	sld [smem:$0x3FFD];
	_ =	sdelay $0x3  }
0x96: {  	_ =	strace s3  }
0x97: {  	_ =	strace $0x8FFFFFFF  }
0x98: {  	s19 =	sld [smem:$0x3FDB];
	_ =	sdelay $0x1  }
0x99: {  	s4 =	simm.s32 $_scs_section_size  }
0x9a: {  	s5 =	simm.s32 $_size__tile_overlayer_lowered;
	s6 =	simm.s32 $_tile_overlayer_lowered  }
0x9b: {  	s22 =	simm.s32 $0x1BFF;
	s21 =	sshll.u32 s6, $0x1;
	s3 =	sadd.s32 s4, s19  }
0x9c: {  	s7 =	simm.s32 $0x0;
	s20 =	sshll.u32 s5, $0x1;
	s5 =	sadd.s32 s21, s3  }
0x9d: {  	[timem:s7], [sflag:s22] =	dma.local [hbm:s5], s20  }
0x9e: {  	_ =	swait.ge [sflag:s22], s20  }
0x9f: {  	s4 =	ssub.s32 $0x0, s20;
	[sflag:s22] =	ssyncset.done $0x0  }
0xa0: {  	[sflag:s22] =	ssyncadd.s32 s4;
	_ =	sdelay $0x1  }
0xa1: {  	s23 =	simm.s32 $0x1B8B  }
0xa2: {  	_ =	swait.ge [sflag:s23], $0x1  }
0xa3: {  	[sflag:s23] =	ssyncset.done $0x0  }
0xa4: {  	s25 =	simm.s32 $0x1B8E;
	s24 =	sld [smem:$0x3FFE];
	[sflag:s23] =	ssyncadd.s32 $0xFFFFFFFF  }
0xa5: {  	s26 =	simm.s32 $execute0_lowered;
	[smem:$0x3FD2] =	sst s25  }
0xa6: {  	s5 =	sshll.u32 s26, $0x1;
	_ =	strace $0x80000046;
	[dreg:$0x1] =	wrdreg $0xFFFFFFFF  }
0xa7: {  	s28 =	simm.s32 $_size_execute0_lowered;
	s3 =	sadd.s32 s3, s5;
	[dreg:$0x0] =	wrdreg $0x0  }
0xa8: {  	s5 =	sshll.u32 s28, $0x1;
	[dreg:$0x2] =	wrdreg s3  }
0xa9: {  	[dreg:$0x3] =	wrdreg s5  }
0xaa: {  	[dreg:$0x4] =	wrdreg $0xC0  }
0xab: {  	_ =	task [dreg:s7], $0x5FFFF  }
0xac: {  	[dreg:$0x1] =	wrdreg $0xFFFFFFFF  }
0xad: {  	[dreg:$0x0] =	wrdreg $0x60  }
0xae: {  	[dreg:$0x2] =	wrdreg s24  }
0xaf: {  	[dreg:$0x3] =	wrdreg s2  }
0xb0: {  	[dreg:$0x4] =	wrdreg $0x9  }
0xb1: {  	_ =	task.clear_ibuf [dreg:s7], $0x5FFFF;
	_ =	strace $0x90000046  }
0xb2: {  	s29 =	simm.s32 $0x9;
	_ =	strace $0x80000048  }
0xb3: {  	_ =	swait.ge [sflag:s29], $0x1  }
0xb4: {  	[sflag:s29] =	ssyncadd.s32 $0xFFFFFFFF  }
0xb5: {  	_ =	strace $0x90000048  }
0xb6: {  	_ =	sfence  }
0xb7: {  	s30 =	sld [smem:$0x0];
	_ =	sdelay $0x2  }
0xb8: {  	s31 =	sshll.u32 s1, $0xD;
	s1 =	sshrl.u32 s1, $0x2  }
0xb9: {  	s3 =	sand.u32 $0x4000, s31;
	s1 =	sadd.s32 s1, s30  }
0xba: {  	s0 =	sor.u32 s3, s0;
	s1 =	sshll.u32 s1, $0x11  }
0xbb: {  	s0 =	sor.u32 s1, s0  }
0xbc: {  	s0 =	sadd.s32 $0x8F2B, s0  }
0xbd: {  	[sflag:s0] =	ssyncadd.remote.s32 $0x1  }
0xbe: {  	_ =	sfence.sel $0xFFFF  }
0xbf: {  	[dreg:$0x0] =	wrdreg $0xFFFFFFFF;
	(pc) =	sbr.abs _section_cstart, $3  }
0xc0: {  	[dreg:$0x1] =	wrdreg $0xFFFFFFFF  }
0xc1: {  	_ =	task.clear_ibuf [dreg:s7], $0x2FFFF;
	_ =	strace $0x9FFFFFFF  }
0xc2: {  	(tm) =	ssettm $0x7FFFFFFF  }
0xc3: {  	_ =	shalt  }
tec
execute0_lowered:
.L_overlay_start_1:
0x0: {  	(tag) =	ssettag $0x1  }
0x1: {  	s0 =	srdreg.scid;
	s1 =	rddreg [dreg:$0x0]  }
0x2: {  	s9 =	stileid.u32;
	s8 =	rddreg [dreg:$0x1];
	s2 =	simm.s32 $0x0  }
0x3: {  	s11 =	simm.s32 $0x5;
	s12 =	simm.s32 $0xC8;
	s13 =	simm.s32 $0x6400  }
0x4: {  	s14 =	simm.s32 $0x9600;
	s16 =	simm.s32 $0xC800;
	s18 =	simm.s32 $0xFA00  }
0x5: {  	s20 =	simm.s32 $0x12C00;
	s22 =	simm.s32 $0x15E00;
	s24 =	simm.s32 $0x19000  }
0x6: {  	s26 =	simm.s32 $0x1C200;
	s28 =	simm.s32 $0x1;
	s29 =	simm.s32 $0x3  }
0x7: {  	s15 =	simm.s32 $0x2;
	s17 =	simm.s32 $0x4;
	s19 =	simm.s32 $0x60E0  }
0x8: {  	s21 =	simm.s32 $0x0;
	s0 =	sand.u32 $0x1, s0;
	s3 =	sshll.u32 s9, $0x8  }
0x9: {  	[smem:$0x7FF] =	sst s2;
	s9 =	smul.u32 $0x64000, s9;
	s4 =	sshll.u32 s0, $0x7  }
0xa: {  	s5 =	ssub.s32 $0x2, s0;
	s0 =	smul.u32 $0x32000, s0;
	s3 =	sor.u32 s4, s3  }
0xb: {  	_ =	strace $0x80000047;
	s6 =	sshrl.u32 s5, $0x1;
	s4 =	smul.u32 $0x19, s3  }
0xc: {  	s31 =	sadd.s32 s9, s8;
	s7 =	smul.u32 $0x640, s3;
	s30 =	ssub.s32 s5, s6  }
0xd: {  	s3 =	sadd.s32 $0xF42E00, s1;
	s0 =	sadd.s32 s0, s31;
	s6 =	smax.u32 s30, $0x1  }
0xe: {  	s10 =	sadd.s32 $0x3200, s0;
	s0 =	simm.s32 $0x898;
	s4 =	sadd.s32 s4, s1  }
0xf: {  	s5 =	sadd.s32 s8, s7;
	s1 =	simm.s32 $0x7D0;
	s4 =	sadd.s32 $0xA00, s4  }
0x10: {  	s7 =	sadd.s32 $0x1900, s5;
	s8 =	sadd.s32 $0x2EE00, s5;
	s9 =	sadd.s32 $0x30700, s5  }
.LBB2_1:
0x11: {  	[tilespmem:s2], [sflag:$0x5] =	stream.linear.gather [hbm4b:s4+s2], $0x6400, $0x38;
	[tilespmem:$0x1F400] =	vst v63  }
0x12: {  	_ =	swait.ge [sflag:s11], $0x6400  }
0x13: {  	[sflag:s11] =	ssyncset.done $0x0  }
0x14: {  	[sflag:s11] =	ssyncadd.s32 $0xFFFF9C00  }
0x15: {  	[tilespmem:s13], [sflag:$0x1] =	stream.indirect.gather [hbm4b:s3+s12], $0x40, s2, s12, $0xb8;
	[tilespmem:$0x1F400] =	vst v63  }
0x16: {  	_ = 	snop  }
0x17: {  	[tilespmem:s14], [sflag:$0x1] =	stream.indirect.gather [hbm4b:s3+s12], $0x40, s12, s12, $0xb8;
	[tilespmem:$0x1F400] =	vst v63  }
0x18: {  	s23 =	simm.s32 $0x190  }
0x19: {  	[tilespmem:s16], [sflag:$0x1] =	stream.indirect.gather [hbm4b:s3+s12], $0x40, s23, s12, $0xb8;
	[tilespmem:$0x1F400] =	vst v63  }
0x1a: {  	s31 =	simm.s32 $0x258  }
0x1b: {  	[tilespmem:s18], [sflag:$0x1] =	stream.indirect.gather [hbm4b:s3+s12], $0x40, s31, s12, $0xb8;
	[tilespmem:$0x1F400] =	vst v63  }
0x1c: {  	s25 =	simm.s32 $0x320  }
0x1d: {  	[tilespmem:s20], [sflag:$0x2] =	stream.indirect.gather [hbm4b:s3+s12], $0x40, s25, s12, $0xb8;
	[tilespmem:$0x1F400] =	vst v63  }
0x1e: {  	s31 =	simm.s32 $0x3E8  }
0x1f: {  	[tilespmem:s22], [sflag:$0x2] =	stream.indirect.gather [hbm4b:s3+s12], $0x40, s31, s12, $0xb8;
	[tilespmem:$0x1F400] =	vst v63  }
0x20: {  	s25 =	simm.s32 $0x4B0  }
0x21: {  	[tilespmem:s24], [sflag:$0x2] =	stream.indirect.gather [hbm4b:s3+s12], $0x40, s25, s12, $0xb8;
	[tilespmem:$0x1F400] =	vst v63  }
0x22: {  	s31 =	simm.s32 $0x578  }
0x23: {  	[tilespmem:s26], [sflag:$0x2] =	stream.indirect.gather [hbm4b:s3+s12], $0x40, s31, s12, $0xb8;
	[tilespmem:$0x1F400] =	vst v63  }
0x24: {  	_ =	swait.ge [sflag:s28], $0x3200  }
0x25: {  	[sflag:s28] =	ssyncset.done $0x0  }
0x26: {  	[sflag:s28] =	ssyncadd.s32 $0xFFFFCE00  }
0x27: {  	_ =	swait.ge [sflag:s28], $0x3200  }
0x28: {  	[sflag:s28] =	ssyncset.done $0x0  }
0x29: {  	[sflag:s28] =	ssyncadd.s32 $0xFFFFCE00  }
0x2a: {  	_ =	swait.ge [sflag:s28], $0x3200  }
0x2b: {  	[sflag:s28] =	ssyncset.done $0x0  }
0x2c: {  	[sflag:s28] =	ssyncadd.s32 $0xFFFFCE00  }
0x2d: {  	_ =	swait.ge [sflag:s28], $0x3200  }
0x2e: {  	[sflag:s28] =	ssyncset.done $0x0  }
0x2f: {  	[sflag:s28] =	ssyncadd.s32 $0xFFFFCE00  }
0x30: {  	[hbm4b:s5+s2] =	stream.linear.scatter [tilespmem:s13], [sflag:$0x3], $0xC800, $0x38;
	[tilespmem:$0x1F400] =	vst v63  }
0x31: {  	_ =	swait.ge [sflag:s29], $0xC800  }
0x32: {  	[sflag:s29] =	ssyncset.done $0x0  }
0x33: {  	s25 =	simm.s32 $0x640;
	[sflag:s29] =	ssyncadd.s32 $0xFFFF3800  }
0x34: {  	[tilespmem:s13], [sflag:$0x1] =	stream.indirect.gather [hbm4b:s3+s12], $0x40, s25, s12, $0xb8;
	[tilespmem:$0x1F400] =	vst v63  }
0x35: {  	s31 =	simm.s32 $0x708  }
0x36: {  	[tilespmem:s14], [sflag:$0x1] =	stream.indirect.gather [hbm4b:s3+s12], $0x40, s31, s12, $0xb8;
	[tilespmem:$0x1F400] =	vst v63  }
0x37: {  	_ = 	snop  }
0x38: {  	[tilespmem:s16], [sflag:$0x1] =	stream.indirect.gather [hbm4b:s3+s12], $0x40, s1, s12, $0xb8;
	[tilespmem:$0x1F400] =	vst v63  }
0x39: {  	_ = 	snop  }
0x3a: {  	[tilespmem:s18], [sflag:$0x1] =	stream.indirect.gather [hbm4b:s3+s12], $0x40, s0, s12, $0xb8;
	[tilespmem:$0x1F400] =	vst v63  }
0x3b: {  	_ =	swait.ge [sflag:s15], $0x3200  }
0x3c: {  	[sflag:s15] =	ssyncset.done $0x0  }
0x3d: {  	[sflag:s15] =	ssyncadd.s32 $0xFFFFCE00  }
0x3e: {  	_ =	swait.ge [sflag:s15], $0x3200  }
0x3f: {  	[sflag:s15] =	ssyncset.done $0x0  }
0x40: {  	[sflag:s15] =	ssyncadd.s32 $0xFFFFCE00  }
0x41: {  	_ =	swait.ge [sflag:s15], $0x3200  }
0x42: {  	[sflag:s15] =	ssyncset.done $0x0  }
0x43: {  	[sflag:s15] =	ssyncadd.s32 $0xFFFFCE00  }
0x44: {  	_ =	swait.ge [sflag:s15], $0x3200  }
0x45: {  	[sflag:s15] =	ssyncset.done $0x0  }
0x46: {  	[sflag:s15] =	ssyncadd.s32 $0xFFFFCE00  }
0x47: {  	[hbm4b:s7+s2] =	stream.linear.scatter [tilespmem:s20], [sflag:$0x4], $0xC800, $0x38;
	[tilespmem:$0x1F400] =	vst v63  }
0x48: {  	_ =	swait.ge [sflag:s17], $0xC800  }
0x49: {  	[sflag:s17] =	ssyncset.done $0x0  }
0x4a: {  	s25 =	simm.s32 $0x960;
	[sflag:s17] =	ssyncadd.s32 $0xFFFF3800  }
0x4b: {  	[tilespmem:s20], [sflag:$0x2] =	stream.indirect.gather [hbm4b:s3+s12], $0x40, s25, s12, $0xb8;
	[tilespmem:$0x1F400] =	vst v63  }
0x4c: {  	s31 =	simm.s32 $0xA28  }
0x4d: {  	[tilespmem:s22], [sflag:$0x2] =	stream.indirect.gather [hbm4b:s3+s12], $0x40, s31, s12, $0xb8;
	[tilespmem:$0x1F400] =	vst v63  }
0x4e: {  	s25 =	simm.s32 $0xAF0  }
0x4f: {  	[tilespmem:s24], [sflag:$0x2] =	stream.indirect.gather [hbm4b:s3+s12], $0x40, s25, s12, $0xb8;
	[tilespmem:$0x1F400] =	vst v63  }
0x50: {  	s31 =	simm.s32 $0xBB8  }
0x51: {  	[tilespmem:s26], [sflag:$0x2] =	stream.indirect.gather [hbm4b:s3+s12], $0x40, s31, s12, $0xb8;
	[tilespmem:$0x1F400] =	vst v63  }
0x52: {  	_ =	swait.ge [sflag:s28], $0x3200  }
0x53: {  	[sflag:s28] =	ssyncset.done $0x0  }
0x54: {  	[sflag:s28] =	ssyncadd.s32 $0xFFFFCE00  }
0x55: {  	_ =	swait.ge [sflag:s28], $0x3200  }
0x56: {  	[sflag:s28] =	ssyncset.done $0x0  }
0x57: {  	[sflag:s28] =	ssyncadd.s32 $0xFFFFCE00  }
0x58: {  	_ =	swait.ge [sflag:s28], $0x3200  }
0x59: {  	[sflag:s28] =	ssyncset.done $0x0  }
0x5a: {  	[sflag:s28] =	ssyncadd.s32 $0xFFFFCE00  }
0x5b: {  	_ =	swait.ge [sflag:s28], $0x3200  }
0x5c: {  	[sflag:s28] =	ssyncset.done $0x0  }
0x5d: {  	[sflag:s28] =	ssyncadd.s32 $0xFFFFCE00  }
0x5e: {  	[hbm4b:s10+s2] =	stream.linear.scatter [tilespmem:s13], [sflag:$0x3], $0xC800, $0x38;
	[tilespmem:$0x1F400] =	vst v63  }
0x5f: {  	_ =	swait.ge [sflag:s29], $0xC800  }
0x60: {  	[sflag:s29] =	ssyncset.done $0x0  }
0x61: {  	s25 =	simm.s32 $0xC80;
	[sflag:s29] =	ssyncadd.s32 $0xFFFF3800  }
0x62: {  	[tilespmem:s13], [sflag:$0x1] =	stream.indirect.gather [hbm4b:s3+s12], $0x40, s25, s12, $0xb8;
	[tilespmem:$0x1F400] =	vst v63  }
0x63: {  	s31 =	simm.s32 $0xD48  }
0x64: {  	[tilespmem:s14], [sflag:$0x1] =	stream.indirect.gather [hbm4b:s3+s12], $0x40, s31, s12, $0xb8;
	[tilespmem:$0x1F400] =	vst v63  }
0x65: {  	s25 =	simm.s32 $0xE10  }
0x66: {  	[tilespmem:s16], [sflag:$0x1] =	stream.indirect.gather [hbm4b:s3+s12], $0x40, s25, s12, $0xb8;
	[tilespmem:$0x1F400] =	vst v63  }
0x67: {  	s31 =	simm.s32 $0xED8  }
0x68: {  	[tilespmem:s18], [sflag:$0x1] =	stream.indirect.gather [hbm4b:s3+s12], $0x40, s31, s12, $0xb8;
	[tilespmem:$0x1F400] =	vst v63  }
0x69: {  	_ =	swait.ge [sflag:s15], $0x3200  }
0x6a: {  	[sflag:s15] =	ssyncset.done $0x0  }
0x6b: {  	[sflag:s15] =	ssyncadd.s32 $0xFFFFCE00  }
0x6c: {  	_ =	swait.ge [sflag:s15], $0x3200  }
0x6d: {  	[sflag:s15] =	ssyncset.done $0x0  }
0x6e: {  	[sflag:s15] =	ssyncadd.s32 $0xFFFFCE00  }
0x6f: {  	_ =	swait.ge [sflag:s15], $0x3200  }
0x70: {  	[sflag:s15] =	ssyncset.done $0x0  }
0x71: {  	[sflag:s15] =	ssyncadd.s32 $0xFFFFCE00  }
0x72: {  	_ =	swait.ge [sflag:s15], $0x3200  }
0x73: {  	s30 =	sadd.s32 $0x1900, s10;
	[sflag:s15] =	ssyncset.done $0x0  }
0x74: {  	s23 =	simm.s32 $0x1900;
	s25 =	sadd.s32 $0x3200, s10;
	[sflag:s15] =	ssyncadd.s32 $0xFFFFCE00  }
.LBB2_2:
0x75: {  	[hbm4b:s30+s2] =	stream.linear.scatter [tilespmem:s20], [sflag:$0x4], $0xC800, $0x38;
	[tilespmem:$0x1F400] =	vst v63  }
0x76: {  	s30 =	smov.u32 s23;
	s23 =	sadd.s32 $0x1900, s23;
	_ =	swait.ge [sflag:s17], $0xC800  }
0x77: {  	s30 =	sshra.s32 s30, $0x2;
	p0 =	sne.s32 s23, $0x15E00;
	[sflag:s17] =	ssyncset.done $0x0  }
0x78: {  	s31 =	sadd.s32 $0x960, s30;
	[sflag:s17] =	ssyncadd.s32 $0xFFFF3800  }
0x79: {  	[tilespmem:s20], [sflag:$0x2] =	stream.indirect.gather [hbm4b:s3+s12], $0x40, s31, s12, $0xb8;
	[tilespmem:$0x1F400] =	vst v63  }
0x7a: {  	s31 =	sadd.s32 $0xA28, s30  }
0x7b: {  	[tilespmem:s22], [sflag:$0x2] =	stream.indirect.gather [hbm4b:s3+s12], $0x40, s31, s12, $0xb8;
	[tilespmem:$0x1F400] =	vst v63  }
0x7c: {  	s31 =	sadd.s32 $0xAF0, s30  }
0x7d: {  	[tilespmem:s24], [sflag:$0x2] =	stream.indirect.gather [hbm4b:s3+s12], $0x40, s31, s12, $0xb8;
	[tilespmem:$0x1F400] =	vst v63  }
0x7e: {  	s31 =	sadd.s32 $0xBB8, s30  }
0x7f: {  	[tilespmem:s26], [sflag:$0x2] =	stream.indirect.gather [hbm4b:s3+s12], $0x40, s31, s12, $0xb8;
	[tilespmem:$0x1F400] =	vst v63  }
0x80: {  	_ =	swait.ge [sflag:s28], $0x3200  }
0x81: {  	[sflag:s28] =	ssyncset.done $0x0  }
0x82: {  	[sflag:s28] =	ssyncadd.s32 $0xFFFFCE00  }
0x83: {  	_ =	swait.ge [sflag:s28], $0x3200  }
0x84: {  	[sflag:s28] =	ssyncset.done $0x0  }
0x85: {  	[sflag:s28] =	ssyncadd.s32 $0xFFFFCE00  }
0x86: {  	_ =	swait.ge [sflag:s28], $0x3200  }
0x87: {  	[sflag:s28] =	ssyncset.done $0x0  }
0x88: {  	[sflag:s28] =	ssyncadd.s32 $0xFFFFCE00  }
0x89: {  	_ =	swait.ge [sflag:s28], $0x3200  }
0x8a: {  	[sflag:s28] =	ssyncset.done $0x0  }
0x8b: {  	[sflag:s28] =	ssyncadd.s32 $0xFFFFCE00  }
0x8c: {  	[hbm4b:s25+s2] =	stream.linear.scatter [tilespmem:s13], [sflag:$0x3], $0xC800, $0x38;
	[tilespmem:$0x1F400] =	vst v63  }
0x8d: {  	_ =	swait.ge [sflag:s29], $0xC800  }
0x8e: {  	[sflag:s29] =	ssyncset.done $0x0  }
0x8f: {  	s31 =	sadd.s32 $0xC80, s30;
	[sflag:s29] =	ssyncadd.s32 $0xFFFF3800  }
0x90: {  	[tilespmem:s13], [sflag:$0x1] =	stream.indirect.gather [hbm4b:s3+s12], $0x40, s31, s12, $0xb8;
	[tilespmem:$0x1F400] =	vst v63  }
0x91: {  	s31 =	sadd.s32 $0xD48, s30  }
0x92: {  	[tilespmem:s14], [sflag:$0x1] =	stream.indirect.gather [hbm4b:s3+s12], $0x40, s31, s12, $0xb8;
	[tilespmem:$0x1F400] =	vst v63  }
0x93: {  	s31 =	sadd.s32 $0xE10, s30  }
0x94: {  	[tilespmem:s16], [sflag:$0x1] =	stream.indirect.gather [hbm4b:s3+s12], $0x40, s31, s12, $0xb8;
	[tilespmem:$0x1F400] =	vst v63  }
0x95: {  	s30 =	sadd.s32 $0xED8, s30  }
0x96: {  	[tilespmem:s18], [sflag:$0x1] =	stream.indirect.gather [hbm4b:s3+s12], $0x40, s30, s12, $0xb8;
	[tilespmem:$0x1F400] =	vst v63  }
0x97: {  	_ =	swait.ge [sflag:s15], $0x3200  }
0x98: {  	[sflag:s15] =	ssyncset.done $0x0  }
0x99: {  	[sflag:s15] =	ssyncadd.s32 $0xFFFFCE00  }
0x9a: {  	_ =	swait.ge [sflag:s15], $0x3200  }
0x9b: {  	[sflag:s15] =	ssyncset.done $0x0  }
0x9c: {  	[sflag:s15] =	ssyncadd.s32 $0xFFFFCE00  }
0x9d: {  	_ =	swait.ge [sflag:s15], $0x3200  }
.Ltmp0:
0x9e: {  	[sflag:s15] =	ssyncset.done $0x0;
	(pc) =	sbr.rel @p0 .LBB2_2-.Ltmp0, $4  }
0x9f: {  	[sflag:s15] =	ssyncadd.s32 $0xFFFFCE00  }
0xa0: {  	_ =	swait.ge [sflag:s15], $0x3200  }
0xa1: {  	[sflag:s15] =	ssyncset.done $0x0  }
0xa2: {  	s30 =	sadd.s32 $0x1900, s25;
	s25 =	sadd.s32 $0x3200, s25;
	[sflag:s15] =	ssyncadd.s32 $0xFFFFCE00  }
0xa3: {  	[hbm4b:s30+s2] =	stream.linear.scatter [tilespmem:s20], [sflag:$0x4], $0xC800, $0x38;
	[tilespmem:$0x1F400] =	vst v63  }
0xa4: {  	_ =	swait.ge [sflag:s17], $0xC800  }
0xa5: {  	[sflag:s17] =	ssyncset.done $0x0  }
0xa6: {  	s23 =	sshra.s32 s23, $0x2;
	[sflag:s17] =	ssyncadd.s32 $0xFFFF3800  }
0xa7: {  	[tilespmem:s20], [sflag:$0x2] =	stream.indirect.gather [hbm4b:s3+s12], $0x40, s19, s12, $0xb8;
	[tilespmem:$0x1F400] =	vst v63  }
0xa8: {  	s25 =	sadd.s32 $0xA28, s23  }
0xa9: {  	[tilespmem:s22], [sflag:$0x2] =	stream.indirect.gather [hbm4b:s3+s12], $0x40, s25, s12, $0xb8;
	[tilespmem:$0x1F400] =	vst v63  }
0xaa: {  	s31 =	sadd.s32 $0xAF0, s23  }
0xab: {  	[tilespmem:s24], [sflag:$0x2] =	stream.indirect.gather [hbm4b:s3+s12], $0x40, s31, s12, $0xb8;
	[tilespmem:$0x1F400] =	vst v63  }
0xac: {  	s23 =	sadd.s32 $0xBB8, s23  }
0xad: {  	[tilespmem:s26], [sflag:$0x2] =	stream.indirect.gather [hbm4b:s3+s12], $0x40, s23, s12, $0xb8;
	[tilespmem:$0x1F400] =	vst v63  }
0xae: {  	_ =	swait.ge [sflag:s28], $0x3200  }
0xaf: {  	[sflag:s28] =	ssyncset.done $0x0  }
0xb0: {  	[sflag:s28] =	ssyncadd.s32 $0xFFFFCE00  }
0xb1: {  	_ =	swait.ge [sflag:s28], $0x3200  }
0xb2: {  	[sflag:s28] =	ssyncset.done $0x0  }
0xb3: {  	[sflag:s28] =	ssyncadd.s32 $0xFFFFCE00  }
0xb4: {  	_ =	swait.ge [sflag:s28], $0x3200  }
0xb5: {  	[sflag:s28] =	ssyncset.done $0x0  }
0xb6: {  	[sflag:s28] =	ssyncadd.s32 $0xFFFFCE00  }
0xb7: {  	_ =	swait.ge [sflag:s28], $0x3200  }
0xb8: {  	[sflag:s28] =	ssyncset.done $0x0  }
0xb9: {  	[sflag:s28] =	ssyncadd.s32 $0xFFFFCE00  }
0xba: {  	[hbm4b:s8+s2] =	stream.linear.scatter [tilespmem:s13], [sflag:$0x3], $0xC800, $0x38;
	[tilespmem:$0x1F400] =	vst v63  }
0xbb: {  	_ =	swait.ge [sflag:s15], $0x3200  }
0xbc: {  	[sflag:s15] =	ssyncset.done $0x0  }
0xbd: {  	[sflag:s15] =	ssyncadd.s32 $0xFFFFCE00  }
0xbe: {  	_ =	swait.ge [sflag:s15], $0x3200  }
0xbf: {  	[sflag:s15] =	ssyncset.done $0x0  }
0xc0: {  	[sflag:s15] =	ssyncadd.s32 $0xFFFFCE00  }
0xc1: {  	_ =	swait.ge [sflag:s15], $0x3200  }
0xc2: {  	[sflag:s15] =	ssyncset.done $0x0  }
0xc3: {  	[sflag:s15] =	ssyncadd.s32 $0xFFFFCE00  }
0xc4: {  	_ =	swait.ge [sflag:s15], $0x3200  }
0xc5: {  	[sflag:s15] =	ssyncset.done $0x0  }
0xc6: {  	s21 =	sadd.s32 $0x1, s21;
	[sflag:s15] =	ssyncadd.s32 $0xFFFFCE00  }
0xc7: {  	[hbm4b:s9+s2] =	stream.linear.scatter [tilespmem:s20], [sflag:$0x4], $0xC800, $0x38;
	[tilespmem:$0x1F400] =	vst v63  }
0xc8: {  	p0 =	sne.s32 s21, s6;
	_ =	swait.ge [sflag:s29], $0xC800  }
.Ltmp1:
0xc9: {  	[sflag:s29] =	ssyncset.done $0x0;
	(pc) =	sbr.rel @p0 .LBB2_1-.Ltmp1, $4  }
0xca: {  	[sflag:s29] =	ssyncadd.s32 $0xFFFF3800  }
0xcb: {  	_ =	swait.ge [sflag:s17], $0xC800  }
0xcc: {  	[sflag:s17] =	ssyncset.done $0x0  }
0xcd: {  	[sflag:s17] =	ssyncadd.s32 $0xFFFF3800  }
0xce: {  	_ =	sfence.sel $0x180000  }
0xcf: {  	[bflag:$0x0] =	sbarrier.arrive $0xFFFF  }
0xd0: {  	_ =	strace $0x90000047  }
0xd1: {  	s0 =	stileid.u32;
	[bflag:$0x2] =	sbarrier.arrive $0xFFFF  }
0xd2: {  	p0 =	sne.s32 s0, $0x0;
	s0 =	rddreg [dreg:$0x2]  }
0xd3: {  	s0 =	sadd.s32 @!p0 $0x100000, s0  }
0xd4: {  	[sflag:s0] =	ssyncadd.tile.s32 @!p0 $0x1;
	_ =	shalt  }
.Lfunc_end2:
_tile_overlayer_lowered:
.L_overlay_start_2:
0xd5: {  	(tag) =	ssettag $0x2  }
0xd6: {  	s0 =	rddreg [dreg:$0x0];
	s2 =	stileid.u32  }
0xd7: {  	s1 =	rddreg [dreg:$0x1];
	p0 =	sne.s32 s2, $0x0  }
0xd8: {  	s3 =	rddreg [dreg:$0x2];
	[bflag:$0x3] =	sbarrier.arrive $0xFFFF;
	s2 =	simm.s32 @!p0 $0x1C05  }
0xd9: {  	[timem:s3], [sflag:s2] =	dma.local @!p0 [hbm:s0], s1  }
0xda: {  	s0 =	simm.s32 @!p0 $0x5  }
0xdb: {  	_ =	swait.ge @!p0 [sflag:s0], s1  }
0xdc: {  	s1 =	ssub.s32 @!p0 $0x0, s1;
	[sflag:s0] =	ssyncset.done @!p0 $0x0  }
0xdd: {  	[sflag:s0] =	ssyncadd.s32 @!p0 s1  }
0xde: {  	[bflag:$0x3] =	sbarrier.arrive $0xFFFF  }
0xdf: {  	_ =	shalt  }

// kernel: sparse-core-data-format-call.cloned.1.call-start
scs
called_computation_lowered:
.L_overlay_start_0:
0x0: {  	s2 =	sld [smem:$0x3FD9]  }
0x1: {  	s3 =	sld [smem:$0x3FFE];
	_ =	sdelay $0x1  }
0x2: {  	s1 =	srdreg.scid  }
0x3: {  	s0 =	sand.u32 $0x1, s1  }
0x4: {  	s18 =	sshll.u32 s0, $0xA;
	s2 =	sadd.s32 s3, s2  }
0x5: {  	s2 =	sadd.s32 s2, s18  }
0x6: {  	[smem:$0x3FC6] =	sst s2  }
0x7: {  	_ = 	snop  }
0x8: {  	s2 =	sld [smem:$0x3FD0];
	(tm) =	ssettm $0x1  }
0x9: {  	s19 =	sld [smem:$0x3FFB];
	_ =	sdelay $0x3  }
0xa: {  	_ =	strace s19  }
0xb: {  	s3 =	sld [smem:$0x3FFC];
	_ =	sdelay $0x3  }
0xc: {  	_ =	strace s3  }
0xd: {  	s3 =	sld [smem:$0x3FFD];
	_ =	sdelay $0x3  }
0xe: {  	_ =	strace s3  }
0xf: {  	_ =	strace $0x8FFFFFFF  }
0x10: {  	s20 =	sld [smem:$0x3FDB];
	_ =	sdelay $0x1  }
0x11: {  	s4 =	simm.s32 $_scs_section_size  }
0x12: {  	s5 =	simm.s32 $_size__tile_overlayer_lowered;
	s6 =	simm.s32 $_tile_overlayer_lowered  }
0x13: {  	s23 =	simm.s32 $0x1BFF;
	s22 =	sshll.u32 s6, $0x1;
	s3 =	sadd.s32 s4, s20  }
0x14: {  	s7 =	simm.s32 $0x0;
	s21 =	sshll.u32 s5, $0x1;
	s5 =	sadd.s32 s22, s3  }
0x15: {  	[timem:s7], [sflag:s23] =	dma.local [hbm:s5], s21  }
0x16: {  	_ =	swait.ge [sflag:s23], s21  }
0x17: {  	s4 =	ssub.s32 $0x0, s21;
	[sflag:s23] =	ssyncset.done $0x0  }
0x18: {  	[sflag:s23] =	ssyncadd.s32 s4;
	_ =	sdelay $0x1  }
0x19: {  	s24 =	simm.s32 $0x1B8B  }
0x1a: {  	_ =	swait.ge [sflag:s24], $0x1  }
0x1b: {  	[sflag:s24] =	ssyncset.done $0x0  }
0x1c: {  	s26 =	simm.s32 $0x1B8E;
	s25 =	sld [smem:$0x3FFE];
	[sflag:s24] =	ssyncadd.s32 $0xFFFFFFFF  }
0x1d: {  	s27 =	simm.s32 $execute0_lowered;
	[smem:$0x3FD2] =	sst s26  }
0x1e: {  	s5 =	sshll.u32 s27, $0x1;
	_ =	strace $0x80000049;
	[dreg:$0x1] =	wrdreg $0xFFFFFFFF  }
0x1f: {  	s28 =	simm.s32 $_size_execute0_lowered;
	s3 =	sadd.s32 s3, s5;
	[dreg:$0x0] =	wrdreg $0x0  }
0x20: {  	s5 =	sshll.u32 s28, $0x1;
	[dreg:$0x2] =	wrdreg s3  }
0x21: {  	[dreg:$0x3] =	wrdreg s5  }
0x22: {  	[dreg:$0x4] =	wrdreg $0xC0  }
0x23: {  	_ =	task [dreg:s7], $0x5FFFF  }
0x24: {  	[dreg:$0x1] =	wrdreg $0xFFFFFFFF  }
0x25: {  	[dreg:$0x0] =	wrdreg $0x60  }
0x26: {  	[dreg:$0x2] =	wrdreg s25  }
0x27: {  	[dreg:$0x3] =	wrdreg s2  }
0x28: {  	[dreg:$0x4] =	wrdreg $0x9  }
0x29: {  	_ =	task.clear_ibuf [dreg:s7], $0x5FFFF;
	_ =	strace $0x90000049  }
0x2a: {  	s29 =	simm.s32 $0x9;
	_ =	strace $0x8000004B  }
0x2b: {  	_ =	swait.ge [sflag:s29], $0x1  }
0x2c: {  	[sflag:s29] =	ssyncadd.s32 $0xFFFFFFFF  }
0x2d: {  	_ =	strace $0x9000004B  }
0x2e: {  	_ =	sfence  }
0x2f: {  	s30 =	sld [smem:$0x0];
	_ =	sdelay $0x2  }
0x30: {  	s31 =	sshll.u32 s1, $0xD;
	s1 =	sshrl.u32 s1, $0x2  }
0x31: {  	s3 =	sand.u32 $0x4000, s31;
	s1 =	sadd.s32 s1, s30  }
0x32: {  	s0 =	sor.u32 s3, s0;
	s1 =	sshll.u32 s1, $0x11  }
0x33: {  	s0 =	sor.u32 s1, s0  }
0x34: {  	s0 =	sadd.s32 $0x8F2B, s0  }
0x35: {  	[sflag:s0] =	ssyncadd.remote.s32 $0x1  }
0x36: {  	_ =	sfence.sel $0xFFFF  }
0x37: {  	[dreg:$0x0] =	wrdreg $0xFFFFFFFF;
	(pc) =	sbr.abs _section_cstart, $3  }
0x38: {  	[dreg:$0x1] =	wrdreg $0xFFFFFFFF  }
0x39: {  	_ =	task.clear_ibuf [dreg:s7], $0x2FFFF;
	_ =	strace $0x9FFFFFFF  }
0x3a: {  	(tm) =	ssettm $0x7FFFFFFF  }
0x3b: {  	_ =	shalt  }
tec
execute0_lowered:
.L_overlay_start_1:
0x0: {  	(tag) =	ssettag $0x1  }
0x1: {  	s0 =	srdreg.scid  }
0x2: {  	s1 =	sshll.u32 s0, $0x4  }
0x3: {  	s0 =	stileid.u32;
	s1 =	sand.u32 $0x10, s1  }
0x4: {  	s1 =	sor.u32 s0, s1  }
0x5: {  	s6 =	rddreg [dreg:$0x0];
	s4 =	simm.s32 $0x1;
	s2 =	sshll.u32 s1, $0x7  }
0x6: {  	s7 =	simm.s32 $0x2;
	s12 =	simm.s32 $0x0;
	s1 =	ssub.s32 $0x1000, s2  }
0x7: {  	s8 =	simm.s32 $0x8000;
	s13 =	simm.s32 $0x0;
	s3 =	sand.u32 $0xF80, s1  }
0x8: {  	s9 =	simm.s32 $0x0;
	s5 =	sshrl.u32 s1, $0xC;
	p0 =	sne.s32 s3, $0x0  }
.Ltmp0:
0x9: {  	s1 =	rddreg [dreg:$0x2];
	s4 =	simm.s32 @!p0 $0x0;
	(pc) =	sbr.rel .LBB1_1-.Ltmp0, $4  }
0xa: {  	s11 =	simm.s32 $0x0;
	s3 =	rddreg [dreg:$0x1];
	s5 =	sadd.s32 s4, s5  }
0xb: {  	_ =	strace $0x8000004A;
	s4 =	simm.s32 $0x1;
	s5 =	smul.u32 $0xC8, s5  }
0xc: {  	s6 =	sadd.s32 $0xA00, s6;
	s10 =	smov.u32 s2;
	[sflag:s4] =	ssyncpa.u1 $0x0  }
0xd: {  	p0 =	por $0x0, $0x0;
	[sflag:s7] =	ssyncpa.u1 $0x0;
	s7 =	sor.u32 $0x1, s5  }
.LBB1_4:
0xe: {  	s16 =	sshll.u32 s13, $0x3;
	s17 =	sand.u32 $0x78, s13  }
0xf: {  	s30 =	sand.u32 $0x7E00, s13;
	s12 =	sshll.u32 s12, $0xF;
	s16 =	sand.u32 $0xC00, s16  }
0x10: {  	[tilespmem:s15+$0x810 ss:$0x81] =	vst.msk $0xffff, v2;
	s31 =	sand.u32 $0x7, s13;
	s16 =	sor.u32 s17, s16;
	s17 =	sadd.s32 s3, s30  }
0x11: {  	[tilespmem:s15+$0x1020 ss:$0x81] =	vst.msk $0xffff, v0;
	s13 =	sshll.u32 s31, $0x12;
	s12 =	sadd.s32 s12, s17;
	s16 =	sshrl.u32 s16, $0x3  }
0x12: {  	[tilespmem:s15+$0x0 ss:$0x81] =	vst.msk $0xffff, v1;
	s13 =	sor.u32 $0x400, s13;
	s12 =	sadd.s32 s16, s12  }
0x13: {  	[hbm4b:s12+s13] =	stream.strided.scatter [tilespmem:s14], [sflag:$0x2], $0x2000, s8, s13, $0x20;
	[tilespmem:$0x8080] =	vst v63  }
.LBB1_5:
0x14: {  	s14 =	sadd.s32 $0x1, s9  }
0x15: {  	s12 =	sadd.s32 $0x1000, s10;
	s16 =	smov.u32 s10;
	p2 =	sgt.s32 s14, $0xC7  }
0x16: {  	s16 =	smov.u32 @p2 s12  }
0x17: {  	s14 =	simm.s32 @p2 $0x0;
	p2 =	sgt.s32 s16, $0xFFF  }
0x18: {  	s16 =	smov.u32 @p2 s2;
	p2 =	sne.s32 s11, s7  }
.Ltmp1:
0x19: {  	p1 =	slt.u32 s11, $0x2;
	(pc) =	sbr.rel @!p2 .LBB1_6-.Ltmp1, $4  }
0x1a: {  	s15 =	simm.s32 @!p1 $0x2  }
0x1b: {  	s13 =	smov.u32 s10;
	p0 =	por !p0, !p0;
	_ =	swait.ge @!p1 [sflag:s15], $0x2000  }
0x1c: {  	s12 =	smov.u32 s9;
	[sflag:s15] =	ssyncset.done @!p1 $0x0;
	s9 =	smov.u32 s14  }
0x1d: {  	s11 =	sadd.s32 $0x1, s11;
	[sflag:s15] =	ssyncadd.s32 @!p1 $0xFFFFE000;
	s10 =	smov.u32 s16  }
.LBB1_1:
0x1e: {  	p1 =	sge.u32 s11, s5  }
0x1f: {  	s14 =	sand.u32 @!p1 $0x1FFFFFF, s9  }
0x20: {  	s15 =	smulhi.u32 @!p1 $0x147AE15, s14;
	_ =	sdelay $0x1  }
0x21: {  	s15 =	smul.u32 @!p1 $0xC8, s15  }
0x22: {  	s16 =	sxor.u32 @!p1 $0xFFFFFFFF, s11;
	s17 =	smul.u32 @!p1 $0xC80, s10  }
0x23: {  	s31 =	sadd.s32 $0xFFFFFFFF, s11;
	s16 =	sshll.u32 @!p1 s16, $0xD;
	s14 =	ssub.s32 @!p1 s14, s15  }
0x24: {  	s15 =	sand.u32 @!p1 $0x2000, s16;
	s16 =	sadd.s32 @!p1 s6, s17;
	s14 =	sshll.u32 @!p1 s14, $0x4  }
0x25: {  	s17 =	simm.s32 @!p1 $0x6400;
	s14 =	sadd.s32 @!p1 s14, s16;
	s16 =	simm.s32 @!p1 $0x40  }
0x26: {  	[tilespmem:s15], [sflag:$0x1] =	stream.strided.gather @!p1 [hbm4b:s14+s16], $0x2000, s17, s16, $0x38;
	[tilespmem:$0x8080] =	vst v63  }
0x27: {  	p1 =	sge.u32 s31, s5  }
.Ltmp2:
0x28: {  	_ = 	snop;
	(pc) =	sbr.rel @p1 .LBB1_5-.Ltmp2, $1  }
0x29: {  	_ =	sdelay $0x3  }
0x2a: {  	s14 =	simm.s32 $0x1  }
0x2b: {  	_ =	swait.ge [sflag:s4], $0x2000;
	s14 =	simm.s32 @!p0 $0x0  }
0x2c: {  	[sflag:s4] =	ssyncset.done $0x0;
	s15 =	sshll.u32 s14, $0xD  }
0x2d: {  	[sflag:s4] =	ssyncadd.s32 $0xFFFFE000;
	s18 =	sor.u32 $0x20, s15  }
0x2e: {  	s14 =	smul.u32 $0x8100, s14;
	v3 =	vld [tilespmem:s18+$0x10]  }
0x2f: {  	s30 =	sand.u32 $0x1, s11;
	v2 =	vld [tilespmem:s18+$0xFFFFFFF0]  }
0x30: {  	s15 =	smul.u32 $0x8100, s30;
	s14 =	sshrl.u32 s14, $0x2;
	v0 =	vld [tilespmem:s18+$0x0]  }
0x31: {  	v1 =	vld [tilespmem:s18+$0xFFFFFFE0];
	s16 =	sor.u32 $0x4000, s14  }
0x32: {  	s31 =	sshrl.u32 s15, $0x2;
	s15 =	sadd.s32 $0x0, s16  }
0x33: {  	s17 =	simm.s32 $0x4;
	s18 =	sadd.s32 $0x40, s18;
	s14 =	sor.u32 $0x4000, s31;
	[tilespmem:s15+$0x1830 ss:$0x81] =	vst.msk $0xffff, v3  }
.LBB1_3:
0x34: {  	v3 =	vld [tilespmem:s18+$0x10];
	p1 =	sne.s32 s17, $0x1FC;
	[tilespmem:s15+$0x810 ss:$0x81] =	vst.msk $0xffff, v2;
	s19 =	smov.u32 s17;
	s17 =	sadd.s32 $0x4, s17  }
.Ltmp3:
0x35: {  	v2 =	vld [tilespmem:s18+$0xFFFFFFF0];
	[tilespmem:s15+$0x1020 ss:$0x81] =	vst.msk $0xffff, v0;
	(pc) =	sbr.rel @p1 .LBB1_3-.Ltmp3, $4  }
0x36: {  	v0 =	vld [tilespmem:s18+$0x0];
	[tilespmem:s15+$0x0 ss:$0x81] =	vst.msk $0xffff, v1  }
0x37: {  	s15 =	sshra.s32 s19, $0x2;
	v1 =	vld [tilespmem:s18+$0xFFFFFFE0]  }
0x38: {  	s15 =	sadd.s32 s15, s16  }
0x39: {  	s18 =	sadd.s32 $0x40, s18;
	[tilespmem:s15+$0x1830 ss:$0x81] =	vst.msk $0xffff, v3  }
.Ltmp4:
0x3a: {  	_ = 	snop;
	(pc) =	sbr.rel .LBB1_4-.Ltmp4, $1  }
0x3b: {  	_ =	sdelay $0x3  }
.LBB1_6:
0x3c: {  	_ =	sfence.sel $0x180000  }
0x3d: {  	s2 =	simm.s32 $0x1;
	[bflag:$0x0] =	sbarrier.arrive $0xFFFF  }
0x3e: {  	s31 =	simm.s32 $0x2;
	[sflag:s2] =	ssyncpa.u1 $0x1  }
0x3f: {  	[sflag:s31] =	ssyncpa.u1 $0x1  }
0x40: {  	p0 =	sne.s32 s0, $0x0;
	_ =	strace $0x9000004A  }
0x41: {  	s0 =	sadd.s32 @!p0 $0x100000, s1;
	[bflag:$0x2] =	sbarrier.arrive $0xFFFF  }
0x42: {  	[sflag:s0] =	ssyncadd.tile.s32 @!p0 $0x1;
	_ =	shalt  }
.Lfunc_end1:
_tile_overlayer_lowered:
.L_overlay_start_2:
0x43: {  	(tag) =	ssettag $0x2  }
0x44: {  	s0 =	rddreg [dreg:$0x0];
	s2 =	stileid.u32  }
0x45: {  	s1 =	rddreg [dreg:$0x1];
	p0 =	sne.s32 s2, $0x0  }
0x46: {  	s3 =	rddreg [dreg:$0x2];
	[bflag:$0x3] =	sbarrier.arrive $0xFFFF;
	s2 =	simm.s32 @!p0 $0x1C01  }
0x47: {  	[timem:s3], [sflag:s2] =	dma.local @!p0 [hbm:s0], s1  }
0x48: {  	s0 =	simm.s32 @!p0 $0x1  }
0x49: {  	_ =	swait.ge @!p0 [sflag:s0], s1  }
0x4a: {  	s1 =	ssub.s32 @!p0 $0x0, s1;
	[sflag:s0] =	ssyncset.done @!p0 $0x0  }
0x4b: {  	[sflag:s0] =	ssyncadd.s32 @!p0 s1  }
0x4c: {  	[bflag:$0x3] =	sbarrier.arrive $0xFFFF  }
0x4d: {  	_ =	shalt  }

</sc_bundles>
